<compile_context>
chip_gen: v7x
topology: tpu7x:2x2x1
jax: 0.10.2.dev20260603
libtpu: 0.0.44.dev20260713+nightly
codegen_flags: <defaults>
</compile_context>

<pallas_src>
import functools

import jax
import jax.numpy as jnp
from jax import lax
from jax.experimental import pallas as pl
from jax.experimental.pallas import tpu as pltpu
from jax.experimental.pallas import tpu_sc as plsc

LABEL_SMOOTHING = 0.1
CONF = 1.0 - LABEL_SMOOTHING
BIG = 1 << 30
EXP_CLAMP = 60.0


def _sc_last_body(org_hbm, aux_hbm, last_hbm,
                  org_v, aux_v, last_v,
                  *, V, PART, L, NC):
    w = lax.axis_index("s") * NC + lax.axis_index("c")
    iota16 = lax.broadcasted_iota(jnp.int32, (16,), 0)
    lane0 = iota16 == 0

    @pl.when(w < PART)
    def _():
        p = w
        pltpu.sync_copy(org_hbm.at[p], org_v.at[pl.ds(0, L)])
        org_v[pl.ds(L, 16)] = jnp.full((16,), -1, jnp.int32)
        pltpu.sync_copy(aux_hbm, aux_v)
        temp0 = aux_v[pl.ds(0, 16)][0]
        neg1 = jnp.full((16,), -1, jnp.int32)

        def ms(n, c2):
            last_v[pl.ds(n * 16, 16)] = neg1
            return c2
        lax.fori_loop(0, V // 16, ms, 0)

        n0 = jnp.maximum(0, jnp.minimum(temp0 // 16, L // 16))

        def sc(n, c2):
            sl = pl.ds(n * 16, 16)
            c = org_v[sl]
            jj = n * 16 + iota16
            hazard = jnp.zeros((16,), jnp.bool_)
            for s in range(1, 16):
                cs = org_v[pl.ds(n * 16 + s, 16)]
                hazard = hazard | ((c == cs) & (iota16 < 16 - s))
            plsc.store_scatter(last_v, [c], jj,
                               mask=jnp.logical_not(hazard))
            return c2
        lax.fori_loop(n0, L // 16, sc, 0)
        plsc.store_scatter(last_v, [jnp.zeros((16,), jnp.int32)], neg1,
                           mask=lane0)
        pltpu.sync_copy(last_v, last_hbm.at[p])


def _sc_last(origin, aux, V):
    PART, L = origin.shape
    info = plsc.get_sparse_core_info()
    NC = info.num_cores
    mesh = plsc.VectorSubcoreMesh(core_axis_name="c", subcore_axis_name="s")
    fn = pl.kernel(
        functools.partial(_sc_last_body, V=V, PART=PART, L=L, NC=NC),
        mesh=mesh,
        compiler_params=pltpu.CompilerParams(needs_layout_passes=False),
        out_type=[jax.ShapeDtypeStruct((PART, V), jnp.int32)],
        scratch_types=[
            pltpu.VMEM((L + 16,), jnp.int32),
            pltpu.VMEM((16,), jnp.int32),
            pltpu.VMEM((V,), jnp.int32),
        ],
    )
    return fn(origin, aux)[0]


def _fused_body(x_ref, last_ref, aux_ref, s_ref, g_ref, n_ref,
                sa_ref, ga_ref, na_ref, *, kb_size, n_col_blocks):
    kb = pl.program_id(0)
    c = pl.program_id(1)
    temp0 = aux_ref[0]

    @pl.when(c == 0)
    def _():
        sa_ref[...] = jnp.zeros_like(sa_ref)
        ga_ref[...] = jnp.zeros_like(ga_ref)
        na_ref[...] = jnp.zeros_like(na_ref)

    x = x_ref[...]
    last = last_ref[0]
    kvec = kb * kb_size + lax.broadcasted_iota(
        jnp.int32, (kb_size, 1, 1), 0)
    tempv = temp0 + kvec
    m = last[None, :, :] >= tempv
    s_new = sa_ref[...] + jnp.sum(jnp.exp(jnp.minimum(x, EXP_CLAMP)),
                                  axis=2)
    g_new = ga_ref[...] + jnp.sum(jnp.where(m, x, 0.0), axis=2)
    n_new = na_ref[...] + jnp.sum(jnp.where(m, 1.0, 0.0), axis=2)
    sa_ref[...] = s_new
    ga_ref[...] = g_new
    na_ref[...] = n_new

    @pl.when(c == n_col_blocks - 1)
    def _():
        s_ref[...] = jnp.log(s_new)
        g_ref[...] = g_new
        n_ref[...] = n_new


def _fused(output, last, aux, kb=64, cb=6400):
    B, V = output.shape
    PART = last.shape[0]
    K = B // PART
    grid = (K // kb, V // cb)
    shp = jax.ShapeDtypeStruct((K, PART), jnp.float32)
    outs = pl.pallas_call(
        functools.partial(_fused_body, kb_size=kb, n_col_blocks=grid[1]),
        grid=grid,
        in_specs=[pl.BlockSpec((kb, PART, cb), lambda k, c: (k, 0, c)),
                  pl.BlockSpec((1, PART, cb), lambda k, c: (0, 0, c)),
                  pl.BlockSpec(memory_space=pltpu.SMEM)],
        out_specs=[pl.BlockSpec((kb, PART), lambda k, c: (k, 0))] * 3,
        out_shape=[shp, shp, shp],
        scratch_shapes=[pltpu.VMEM((kb, PART), jnp.float32)] * 3,
        compiler_params=pltpu.CompilerParams(
            dimension_semantics=("arbitrary", "arbitrary")),
    )(output.reshape(K, PART, V), last.reshape(1, PART, V), aux)
    return outs


def _sc_meta_body(out_hbm, tgt_hbm, last_hbm, ot_hbm, lt_hbm,
                  tgt_v, buf_f, buf_i, ot_v, lt_v, sem, sem2,
                  *, B, V, PART, NC, NW, RPW):
    w = lax.axis_index("s") * NC + lax.axis_index("c")
    base = w * RPW
    iota16 = lax.broadcasted_iota(jnp.int32, (16,), 0)
    lane0 = iota16 == 0

    pltpu.sync_copy(tgt_hbm.at[pl.ds(base, RPW)], tgt_v)

    def sget(ref, idx):
        return plsc.load_gather(ref, [jnp.full((16,), idx, jnp.int32)])[0]

    def meta(k):
        ii = base + k
        pp = ii % PART
        tt = sget(tgt_v, k)
        ta = (tt // 16) * 16
        return ii, pp, tt, ta

    def fire(k, buf, s):
        ii, pp, tt, ta = meta(k)
        pltpu.async_copy(out_hbm.at[ii, pl.ds(ta, 16)], buf_f.at[buf], s)
        pltpu.async_copy(last_hbm.at[pp, pl.ds(ta, 16)], buf_i.at[buf], s)

    def wait(k, buf, s):
        ii, pp, tt, ta = meta(k)
        pltpu.make_async_copy(out_hbm.at[ii, pl.ds(ta, 16)],
                              buf_f.at[buf], s).wait()
        pltpu.make_async_copy(last_hbm.at[pp, pl.ds(ta, 16)],
                              buf_i.at[buf], s).wait()

    def process(k, buf):
        _, _, tt, _ = meta(k)
        bufv = jnp.full((16,), buf, jnp.int32)
        lanev = jnp.full((16,), tt % 16, jnp.int32)
        ot = plsc.load_gather(buf_f, [bufv, lanev])
        lt = plsc.load_gather(buf_i, [bufv, lanev])
        kvec = jnp.full((16,), k, jnp.int32)
        plsc.store_scatter(ot_v, [kvec], ot, mask=lane0)
        plsc.store_scatter(lt_v, [kvec], lt, mask=lane0)

    fire(0, 0, sem)

    def rowpair(h, carry):
        k = h * 2
        fire(k + 1, 1, sem2)
        wait(k, 0, sem)
        process(k, 0)

        @pl.when(k + 2 < RPW)
        def _():
            fire(k + 2, 0, sem)

        wait(k + 1, 1, sem2)
        process(k + 1, 1)
        return carry

    lax.fori_loop(0, RPW // 2, rowpair, 0)
    pltpu.sync_copy(ot_v, ot_hbm.at[pl.ds(base, RPW)])
    pltpu.sync_copy(lt_v, lt_hbm.at[pl.ds(base, RPW)])


def _sc_meta(output, target, last):
    B, V = output.shape
    PART = last.shape[0]
    info = plsc.get_sparse_core_info()
    NC, NS = info.num_cores, info.num_subcores
    NW = NC * NS
    RPW = B // NW
    mesh = plsc.VectorSubcoreMesh(core_axis_name="c", subcore_axis_name="s")
    fn = pl.kernel(
        functools.partial(_sc_meta_body, B=B, V=V, PART=PART, NC=NC, NW=NW,
                          RPW=RPW),
        mesh=mesh,
        compiler_params=pltpu.CompilerParams(needs_layout_passes=False),
        out_type=[jax.ShapeDtypeStruct((B,), jnp.float32),
                  jax.ShapeDtypeStruct((B,), jnp.int32)],
        scratch_types=[
            pltpu.VMEM((RPW,), jnp.int32),
            pltpu.VMEM((2, 16), jnp.float32),
            pltpu.VMEM((2, 16), jnp.int32),
            pltpu.VMEM((RPW,), jnp.float32),
            pltpu.VMEM((RPW,), jnp.int32),
            pltpu.SemaphoreType.DMA,
            pltpu.SemaphoreType.DMA,
        ],
    )
    return fn(output, target, last)


def _combine_body(lse_ref, g_ref, n_ref, ot_ref, lt_ref, tgt_ref,
                  tlen_ref, aux_ref, out_ref):
    temp0 = aux_ref[0]
    K, PART = lse_ref.shape
    tempv = temp0 + lax.broadcasted_iota(jnp.int32, (K, PART), 0)
    tl = tlen_ref[0][None, :]
    t = tgt_ref[...]
    lt = lt_ref[...]
    ot = ot_ref[...]
    act = tempv < tl - 2
    dv = tl.astype(jnp.float32) - tempv.astype(jnp.float32) - 2.0
    coef = jnp.where(act, CONF / dv, 0.0)
    excl = lt >= tempv
    G = g_ref[...] - jnp.where(excl, ot, 0.0)
    N = n_ref[...] - jnp.where(excl, 1.0, 0.0)
    nz = t != 0
    r = jnp.where(nz, CONF * ot + coef * G, 0.0)
    q = jnp.where(nz, CONF + coef * N, 0.0)
    loss = jnp.sum(q * lse_ref[...]) - jnp.sum(r)
    out_ref[...] = jnp.reshape(loss, (1, 1))


def _combine(lse, G, N, ot, lt, target, target_len, aux):
    K, PART = lse.shape
    out = pl.pallas_call(
        _combine_body,
        in_specs=[pl.BlockSpec((K, PART), lambda: (0, 0))] * 5
        + [pl.BlockSpec((K, PART), lambda: (0, 0)),
           pl.BlockSpec((1, PART), lambda: (0, 0)),
           pl.BlockSpec(memory_space=pltpu.SMEM)],
        out_specs=pl.BlockSpec((1, 1), lambda: (0, 0)),
        out_shape=jax.ShapeDtypeStruct((1, 1), jnp.float32),
    )(lse, G, N, ot.reshape(K, PART), lt.reshape(K, PART),
      target.reshape(K, PART), target_len.reshape(1, PART), aux)
    return out.reshape(())


def kernel(output, target, shard_size, target_len, origin, part, now):
    B, V = output.shape
    PART, L = origin.shape
    aux = jnp.full((16,), now * shard_size, dtype=jnp.int32)
    last = _sc_last(origin, aux, V)
    ot, lt = _sc_meta(output, target, last)
    lse, G, N = _fused(output, last, aux)
    return _combine(lse, G, N, ot, lt, target, target_len, aux)

# --- scband reference (transcript-rebuilt; emitter-appended) ---
"""Pipeline reference for scband-label-smoothing-loss-16621523435890 (READ-ONLY COPY).

The authoritative reference and input builder live on the scoring server;
editing this copy changes nothing except your own understanding.
"""

import jax
import jax.numpy as jnp
import numpy as np

LABEL_SMOOTHING = 0.1
TGT_DICT_SIZE = 32000
PADDING_IDX = 0
CONFIDENCE = 1.0 - LABEL_SMOOTHING


def setup_inputs(seed: int = 0) -> dict:
    key = jax.random.key(seed)
    k1, k2, k3, k4 = jax.random.split(key, 4)
    B = 4096
    V = TGT_DICT_SIZE
    PART = 8
    MAXLEN = 2048
    output = jax.random.normal(k1, (B, V), dtype=jnp.float32)
    target = jax.random.randint(k2, (B,), 0, V, dtype=jnp.int32)
    target_len = jax.random.randint(k3, (PART,), 0, MAXLEN, dtype=jnp.int32)
    origin = jax.random.randint(k4, (PART, MAXLEN), 0, V, dtype=jnp.int32)
    return {
        "output": output,
        "target": target,
        "shard_size": 512,
        "target_len": target_len,
        "origin": origin,
        "part": PART,
        "now": 2,
    }


def reference(output, target, shard_size, target_len, origin, part, now):
    B, V = output.shape
    L = origin.shape[1]
    i = jnp.arange(B)
    p = i % part
    temp = now * shard_size + i // part            # [B] token position per row
    tl = target_len[p]                             # [B]
    active = temp < (tl - 2)                       # rows that enter the else branch
    # origin[p][temp:] = CONFIDENCE, vectorized: mask positions >= temp, scatter into vocab
    pos_mask = jnp.arange(L)[None, :] >= temp[:, None]   # [B, L]
    gathered = origin[p]                                 # [B, L]
    idx = jnp.where(pos_mask, gathered, V)               # out-of-range -> dropped
    row_ids = jnp.broadcast_to(i[:, None], (B, L))
    model_prob = jnp.zeros((B, V), jnp.float32)
    model_prob = model_prob.at[row_ids, idx].set(CONFIDENCE, mode="drop")
    # model_prob[i][0] = 0
    model_prob = model_prob.at[:, 0].set(0.0)
    # model_prob[i] /= target_len[p].float() - temp - 2
    denom = tl.astype(jnp.float32) - temp.astype(jnp.float32) - 2.0
    model_prob = model_prob / jnp.where(active, denom, 1.0)[:, None]
    # rows with temp >= target_len - 2 are skipped (stay zero)
    model_prob = jnp.where(active[:, None], model_prob, 0.0)
    # model_prob.scatter_(1, target.unsqueeze(1), confidence)
    model_prob = model_prob.at[i, target].set(CONFIDENCE)
    # model_prob.masked_fill_((target == padding_idx).unsqueeze(1), 0)
    model_prob = jnp.where((target == PADDING_IDX)[:, None], 0.0, model_prob)
    logp = jax.nn.log_softmax(output, axis=-1)
    loss = -jnp.sum(logp * model_prob)
    return loss

if __name__ == "__main__":
    import jax
    _d = setup_inputs()
    print(jax.jit(kernel)(*tuple(_d.values())))

</pallas_src>

<mosaic_0001>
#map = affine_map<(d0, d1) -> (0, 0)>
#map1 = affine_map<(d0, d1) -> (0)>
module attributes {stable_mosaic.version = 14 : i64} {
  func.func @_sc_meta_body(%arg0: i32, %arg1: i32, %arg2: memref<4096x32000xf32, #tpu.memory_space<hbm>>, %arg3: memref<4096xi32, #tpu.memory_space<hbm>>, %arg4: memref<8x32000xi32, #tpu.memory_space<hbm>>, %arg5: memref<4096xf32, #tpu.memory_space<hbm>>, %arg6: memref<4096xi32, #tpu.memory_space<hbm>>, %arg7: memref<128xi32, #tpu.memory_space<vmem>>, %arg8: memref<2x16xf32, #tpu.memory_space<vmem>>, %arg9: memref<2x16xi32, #tpu.memory_space<vmem>>, %arg10: memref<128xf32, #tpu.memory_space<vmem>>, %arg11: memref<128xi32, #tpu.memory_space<vmem>>, %arg12: memref<!tpu.dma_semaphore, #tpu.memory_space<semaphore_mem>>, %arg13: memref<!tpu.dma_semaphore, #tpu.memory_space<semaphore_mem>>) attributes {dimension_semantics = [#tpu.dimension_semantics<core_parallel>, #tpu.dimension_semantics<subcore_parallel>], iteration_bounds = array<i64: 2, 16>, scalar_prefetch = 0 : i64, scratch_operands = 7 : i64, tpu.core_type = #tpu.core_type<sc_vector_subcore>, window_params = [{transform_indices = #map}, {transform_indices = #map1}, {transform_indices = #map}, {transform_indices = #map1}, {transform_indices = #map1}]} {
    %mul3A = arith.constant 2 : i32
    %mul3A_0 = arith.muli %arg1, %mul3A : i32
    %add3A = arith.addi %mul3A_0, %arg0 : i32
    %mul3A_1 = arith.constant 128 : i32
    %mul3A_2 = arith.muli %add3A, %mul3A_1 : i32
    %iota3A = tpu.iota {dimensions = array<i32: 0>} : vector<16xi32>
    %eq3A = arith.constant 0 : i32
    %eq3A_3 = vector.broadcast %eq3A : i32 to vector<16xi32>
    %eq3A_4 = arith.cmpi eq, %iota3A, %eq3A_3 : vector<16xi32>
    "tpu.region"() ({
      %run_scoped3A = tpu.sem_alloc : memref<!tpu.dma_semaphore, #tpu.memory_space<semaphore_mem>>
      %dma_start3A_67 = tpu.memref_slice %arg3[%mul3A_2] : memref<4096xi32, #tpu.memory_space<hbm>> -> memref<128xi32, #tpu.memory_space<hbm>>
      %dma_start3A_68 = tpu.memref_slice %arg3[%mul3A_2] : memref<4096xi32, #tpu.memory_space<hbm>> -> memref<128xi32, #tpu.memory_space<hbm>>
      tpu.enqueue_dma source(%dma_start3A_68 : memref<128xi32, #tpu.memory_space<hbm>>) target(%arg7 : memref<128xi32, #tpu.memory_space<vmem>>) target_semaphore(%run_scoped3A : memref<!tpu.dma_semaphore, #tpu.memory_space<semaphore_mem>>)
      %dma_wait3A = tpu.memref_slice %arg3[%mul3A_2] : memref<4096xi32, #tpu.memory_space<hbm>> -> memref<128xi32, #tpu.memory_space<hbm>>
      %dma_wait3A_69 = tpu.memref_slice %arg3[%mul3A_2] : memref<4096xi32, #tpu.memory_space<hbm>> -> memref<128xi32, #tpu.memory_space<hbm>>
      tpu.wait_dma2 semaphore(%run_scoped3A : memref<!tpu.dma_semaphore, #tpu.memory_space<semaphore_mem>>) src(%dma_wait3A_69 : memref<128xi32, #tpu.memory_space<hbm>>) dst(%arg7 : memref<128xi32, #tpu.memory_space<vmem>>)
      tpu.yield
    }) : () -> ()
    %add3A_5 = arith.constant 0 : i32
    %add3A_6 = arith.addi %mul3A_2, %add3A_5 : i32
    %jit3A = arith.constant 8 : i32
    %eq3A_7 = arith.constant 0 : i32
    %eq3A_8 = arith.cmpi eq, %jit3A, %eq3A_7 : i32
    %jit3A_9 = arith.constant 1 : i32
    %select_n3A = arith.select %eq3A_8, %jit3A_9, %jit3A : i32
    %rem3A = arith.remsi %add3A_6, %select_n3A : i32
    %ne3A = arith.constant 0 : i32
    %ne3A_10 = arith.cmpi ne, %rem3A, %ne3A : i32
    %lt3A = arith.constant 0 : i32
    %lt3A_11 = arith.cmpi slt, %rem3A, %lt3A : i32
    %lt3A_12 = arith.constant 0 : i32
    %lt3A_13 = arith.cmpi slt, %select_n3A, %lt3A_12 : i32
    %ne3A_14 = arith.xori %lt3A_11, %lt3A_13 : i1
    %and3A = arith.andi %ne3A_14, %ne3A_10 : i1
    %add3A_15 = arith.addi %rem3A, %select_n3A : i32
    %select_n3A_16 = arith.select %and3A, %add3A_15, %rem3A : i32
    %broadcast_in_dim3A = arith.constant 0 : i32
    %broadcast_in_dim3A_17 = vector.broadcast %broadcast_in_dim3A : i32 to vector<16xi32>
    %gather3A = tpu.vector_load_idx %arg7[%broadcast_in_dim3A_17] : memref<128xi32, #tpu.memory_space<vmem>>[vector<16xi32>], vector<16xi32>,
    %slice3A = vector.extract_strided_slice %gather3A {offsets = [0], sizes = [1], strides = [1]} : vector<16xi32> to vector<1xi32>
    %squeeze3A = vector.extract %slice3A[0] : i32 from vector<1xi32>
    %jit3A_18 = arith.constant 16 : i32
    %div3A = arith.divsi %squeeze3A, %jit3A_18 : i32
    %sign3A = arith.constant 0 : i32
    %sign3A_19 = arith.cmpi sgt, %squeeze3A, %sign3A : i32
    %sign3A_20 = arith.extui %sign3A_19 : i1 to i32
    %sign3A_21 = arith.constant 0 : i32
    %sign3A_22 = arith.cmpi slt, %squeeze3A, %sign3A_21 : i32
    %sign3A_23 = arith.extui %sign3A_22 : i1 to i32
    %sign3A_24 = arith.subi %sign3A_20, %sign3A_23 : i32
    %sign3A_25 = arith.constant 0 : i32
    %sign3A_26 = arith.cmpi sgt, %jit3A_18, %sign3A_25 : i32
    %sign3A_27 = arith.extui %sign3A_26 : i1 to i32
    %sign3A_28 = arith.constant 0 : i32
    %sign3A_29 = arith.cmpi slt, %jit3A_18, %sign3A_28 : i32
    %sign3A_30 = arith.extui %sign3A_29 : i1 to i32
    %sign3A_31 = arith.subi %sign3A_27, %sign3A_30 : i32
    %ne3A_32 = arith.cmpi ne, %sign3A_24, %sign3A_31 : i32
    %rem3A_33 = arith.remsi %squeeze3A, %jit3A_18 : i32
    %ne3A_34 = arith.constant 0 : i32
    %ne3A_35 = arith.cmpi ne, %rem3A_33, %ne3A_34 : i32
    %and3A_36 = arith.andi %ne3A_32, %ne3A_35 : i1
    %sub3A = arith.constant 1 : i32
    %sub3A_37 = arith.subi %div3A, %sub3A : i32
    %select_n3A_38 = arith.select %and3A_36, %sub3A_37, %div3A : i32
    %mul3A_39 = arith.constant 16 : i32
    %mul3A_40 = arith.muli %select_n3A_38, %mul3A_39 : i32
    %dma_start3A = arith.constant 0 : i32
    %dma_start3A_41 = arith.constant 0 : i32
    %dma_start3A_42 = tpu.memref_slice %arg8[%dma_start3A, %dma_start3A_41] : memref<2x16xf32, #tpu.memory_space<vmem>> -> memref<1x16xf32, #tpu.memory_space<vmem>>
    %dma_start3A_43 = tpu.memref_squeeze %dma_start3A_42 : memref<1x16xf32, #tpu.memory_space<vmem>> -> memref<16xf32, #tpu.memory_space<vmem>>
    %dma_start3A_44 = tpu.memref_slice %arg2[%add3A_6, %mul3A_40] : memref<4096x32000xf32, #tpu.memory_space<hbm>> -> memref<1x16xf32, #tpu.memory_space<hbm>>
    %dma_start3A_45 = tpu.memref_squeeze %dma_start3A_44 : memref<1x16xf32, #tpu.memory_space<hbm>> -> memref<16xf32, #tpu.memory_space<hbm>>
    %dma_start3A_46 = arith.constant 0 : i32
    %dma_start3A_47 = tpu.memref_slice %arg8[%dma_start3A, %dma_start3A_46] : memref<2x16xf32, #tpu.memory_space<vmem>> -> memref<1x16xf32, #tpu.memory_space<vmem>>
    %dma_start3A_48 = tpu.memref_squeeze %dma_start3A_47 : memref<1x16xf32, #tpu.memory_space<vmem>> -> memref<16xf32, #tpu.memory_space<vmem>>
    %dma_start3A_49 = tpu.memref_slice %arg2[%add3A_6, %mul3A_40] : memref<4096x32000xf32, #tpu.memory_space<hbm>> -> memref<1x16xf32, #tpu.memory_space<hbm>>
    %dma_start3A_50 = tpu.memref_squeeze %dma_start3A_49 : memref<1x16xf32, #tpu.memory_space<hbm>> -> memref<16xf32, #tpu.memory_space<hbm>>
    tpu.enqueue_dma source(%dma_start3A_50 : memref<16xf32, #tpu.memory_space<hbm>>) target(%dma_start3A_48 : memref<16xf32, #tpu.memory_space<vmem>>) target_semaphore(%arg12 : memref<!tpu.dma_semaphore, #tpu.memory_space<semaphore_mem>>)
    %dma_start3A_51 = arith.constant 0 : i32
    %dma_start3A_52 = arith.constant 0 : i32
    %dma_start3A_53 = tpu.memref_slice %arg9[%dma_start3A_51, %dma_start3A_52] : memref<2x16xi32, #tpu.memory_space<vmem>> -> memref<1x16xi32, #tpu.memory_space<vmem>>
    %dma_start3A_54 = tpu.memref_squeeze %dma_start3A_53 : memref<1x16xi32, #tpu.memory_space<vmem>> -> memref<16xi32, #tpu.memory_space<vmem>>
    %dma_start3A_55 = tpu.memref_slice %arg4[%select_n3A_16, %mul3A_40] : memref<8x32000xi32, #tpu.memory_space<hbm>> -> memref<1x16xi32, #tpu.memory_space<hbm>>
    %dma_start3A_56 = tpu.memref_squeeze %dma_start3A_55 : memref<1x16xi32, #tpu.memory_space<hbm>> -> memref<16xi32, #tpu.memory_space<hbm>>
    %dma_start3A_57 = arith.constant 0 : i32
    %dma_start3A_58 = tpu.memref_slice %arg9[%dma_start3A_51, %dma_start3A_57] : memref<2x16xi32, #tpu.memory_space<vmem>> -> memref<1x16xi32, #tpu.memory_space<vmem>>
    %dma_start3A_59 = tpu.memref_squeeze %dma_start3A_58 : memref<1x16xi32, #tpu.memory_space<vmem>> -> memref<16xi32, #tpu.memory_space<vmem>>
    %dma_start3A_60 = tpu.memref_slice %arg4[%select_n3A_16, %mul3A_40] : memref<8x32000xi32, #tpu.memory_space<hbm>> -> memref<1x16xi32, #tpu.memory_space<hbm>>
    %dma_start3A_61 = tpu.memref_squeeze %dma_start3A_60 : memref<1x16xi32, #tpu.memory_space<hbm>> -> memref<16xi32, #tpu.memory_space<hbm>>
    tpu.enqueue_dma source(%dma_start3A_61 : memref<16xi32, #tpu.memory_space<hbm>>) target(%dma_start3A_59 : memref<16xi32, #tpu.memory_space<vmem>>) target_semaphore(%arg12 : memref<!tpu.dma_semaphore, #tpu.memory_space<semaphore_mem>>)
    %scan3A = arith.constant 0 : i32
    %scan3A_62 = arith.constant 0 : i32
    %scan3A_63 = arith.constant 64 : i32
    %scan3A_64 = arith.addi %scan3A_62, %scan3A_63 : i32
    %scan3A_65 = arith.constant 1 : i32
    scf.for %scan3A_67 = %scan3A_62 to %scan3A_64 step %scan3A_65  : i32 {
      %mul3A_68 = arith.constant 2 : i32
      %mul3A_69 = arith.muli %scan3A_67, %mul3A_68 : i32
      %add3A_70 = arith.constant 1 : i32
      %add3A_71 = arith.addi %mul3A_69, %add3A_70 : i32
      %add3A_72 = arith.addi %mul3A_2, %add3A_71 : i32
      %jit3A_73 = arith.constant 8 : i32
      %eq3A_74 = arith.constant 0 : i32
      %eq3A_75 = arith.cmpi eq, %jit3A_73, %eq3A_74 : i32
      %jit3A_76 = arith.constant 1 : i32
      %select_n3A_77 = arith.select %eq3A_75, %jit3A_76, %jit3A_73 : i32
      %rem3A_78 = arith.remsi %add3A_72, %select_n3A_77 : i32
      %ne3A_79 = arith.constant 0 : i32
      %ne3A_80 = arith.cmpi ne, %rem3A_78, %ne3A_79 : i32
      %lt3A_81 = arith.constant 0 : i32
      %lt3A_82 = arith.cmpi slt, %rem3A_78, %lt3A_81 : i32
      %lt3A_83 = arith.constant 0 : i32
      %lt3A_84 = arith.cmpi slt, %select_n3A_77, %lt3A_83 : i32
      %ne3A_85 = arith.xori %lt3A_82, %lt3A_84 : i1
      %and3A_86 = arith.andi %ne3A_85, %ne3A_80 : i1
      %add3A_87 = arith.addi %rem3A_78, %select_n3A_77 : i32
      %select_n3A_88 = arith.select %and3A_86, %add3A_87, %rem3A_78 : i32
      %broadcast_in_dim3A_89 = vector.broadcast %add3A_71 : i32 to vector<16xi32>
      %gather3A_90 = tpu.vector_load_idx %arg7[%broadcast_in_dim3A_89] : memref<128xi32, #tpu.memory_space<vmem>>[vector<16xi32>], vector<16xi32>,
      %slice3A_91 = vector.extract_strided_slice %gather3A_90 {offsets = [0], sizes = [1], strides = [1]} : vector<16xi32> to vector<1xi32>
      %squeeze3A_92 = vector.extract %slice3A_91[0] : i32 from vector<1xi32>
      %jit3A_93 = arith.constant 16 : i32
      %div3A_94 = arith.divsi %squeeze3A_92, %jit3A_93 : i32
      %sign3A_95 = arith.constant 0 : i32
      %sign3A_96 = arith.cmpi sgt, %squeeze3A_92, %sign3A_95 : i32
      %sign3A_97 = arith.extui %sign3A_96 : i1 to i32
      %sign3A_98 = arith.constant 0 : i32
      %sign3A_99 = arith.cmpi slt, %squeeze3A_92, %sign3A_98 : i32
      %sign3A_100 = arith.extui %sign3A_99 : i1 to i32
      %sign3A_101 = arith.subi %sign3A_97, %sign3A_100 : i32
      %sign3A_102 = arith.constant 0 : i32
      %sign3A_103 = arith.cmpi sgt, %jit3A_93, %sign3A_102 : i32
      %sign3A_104 = arith.extui %sign3A_103 : i1 to i32
      %sign3A_105 = arith.constant 0 : i32
      %sign3A_106 = arith.cmpi slt, %jit3A_93, %sign3A_105 : i32
      %sign3A_107 = arith.extui %sign3A_106 : i1 to i32
      %sign3A_108 = arith.subi %sign3A_104, %sign3A_107 : i32
      %ne3A_109 = arith.cmpi ne, %sign3A_101, %sign3A_108 : i32
      %rem3A_110 = arith.remsi %squeeze3A_92, %jit3A_93 : i32
      %ne3A_111 = arith.constant 0 : i32
      %ne3A_112 = arith.cmpi ne, %rem3A_110, %ne3A_111 : i32
      %and3A_113 = arith.andi %ne3A_109, %ne3A_112 : i1
      %sub3A_114 = arith.constant 1 : i32
      %sub3A_115 = arith.subi %div3A_94, %sub3A_114 : i32
      %select_n3A_116 = arith.select %and3A_113, %sub3A_115, %div3A_94 : i32
      %mul3A_117 = arith.constant 16 : i32
      %mul3A_118 = arith.muli %select_n3A_116, %mul3A_117 : i32
      %dma_start3A_119 = arith.constant 1 : i32
      %dma_start3A_120 = arith.constant 0 : i32
      %dma_start3A_121 = tpu.memref_slice %arg8[%dma_start3A_119, %dma_start3A_120] : memref<2x16xf32, #tpu.memory_space<vmem>> -> memref<1x16xf32, #tpu.memory_space<vmem>>
      %dma_start3A_122 = tpu.memref_squeeze %dma_start3A_121 : memref<1x16xf32, #tpu.memory_space<vmem>> -> memref<16xf32, #tpu.memory_space<vmem>>
      %dma_start3A_123 = tpu.memref_slice %arg2[%add3A_72, %mul3A_118] : memref<4096x32000xf32, #tpu.memory_space<hbm>> -> memref<1x16xf32, #tpu.memory_space<hbm>>
      %dma_start3A_124 = tpu.memref_squeeze %dma_start3A_123 : memref<1x16xf32, #tpu.memory_space<hbm>> -> memref<16xf32, #tpu.memory_space<hbm>>
      %dma_start3A_125 = arith.constant 0 : i32
      %dma_start3A_126 = tpu.memref_slice %arg8[%dma_start3A_119, %dma_start3A_125] : memref<2x16xf32, #tpu.memory_space<vmem>> -> memref<1x16xf32, #tpu.memory_space<vmem>>
      %dma_start3A_127 = tpu.memref_squeeze %dma_start3A_126 : memref<1x16xf32, #tpu.memory_space<vmem>> -> memref<16xf32, #tpu.memory_space<vmem>>
      %dma_start3A_128 = tpu.memref_slice %arg2[%add3A_72, %mul3A_118] : memref<4096x32000xf32, #tpu.memory_space<hbm>> -> memref<1x16xf32, #tpu.memory_space<hbm>>
      %dma_start3A_129 = tpu.memref_squeeze %dma_start3A_128 : memref<1x16xf32, #tpu.memory_space<hbm>> -> memref<16xf32, #tpu.memory_space<hbm>>
      tpu.enqueue_dma source(%dma_start3A_129 : memref<16xf32, #tpu.memory_space<hbm>>) target(%dma_start3A_127 : memref<16xf32, #tpu.memory_space<vmem>>) target_semaphore(%arg13 : memref<!tpu.dma_semaphore, #tpu.memory_space<semaphore_mem>>)
      %dma_start3A_130 = arith.constant 1 : i32
      %dma_start3A_131 = arith.constant 0 : i32
      %dma_start3A_132 = tpu.memref_slice %arg9[%dma_start3A_130, %dma_start3A_131] : memref<2x16xi32, #tpu.memory_space<vmem>> -> memref<1x16xi32, #tpu.memory_space<vmem>>
      %dma_start3A_133 = tpu.memref_squeeze %dma_start3A_132 : memref<1x16xi32, #tpu.memory_space<vmem>> -> memref<16xi32, #tpu.memory_space<vmem>>
      %dma_start3A_134 = tpu.memref_slice %arg4[%select_n3A_88, %mul3A_118] : memref<8x32000xi32, #tpu.memory_space<hbm>> -> memref<1x16xi32, #tpu.memory_space<hbm>>
      %dma_start3A_135 = tpu.memref_squeeze %dma_start3A_134 : memref<1x16xi32, #tpu.memory_space<hbm>> -> memref<16xi32, #tpu.memory_space<hbm>>
      %dma_start3A_136 = arith.constant 0 : i32
      %dma_start3A_137 = tpu.memref_slice %arg9[%dma_start3A_130, %dma_start3A_136] : memref<2x16xi32, #tpu.memory_space<vmem>> -> memref<1x16xi32, #tpu.memory_space<vmem>>
      %dma_start3A_138 = tpu.memref_squeeze %dma_start3A_137 : memref<1x16xi32, #tpu.memory_space<vmem>> -> memref<16xi32, #tpu.memory_space<vmem>>
      %dma_start3A_139 = tpu.memref_slice %arg4[%select_n3A_88, %mul3A_118] : memref<8x32000xi32, #tpu.memory_space<hbm>> -> memref<1x16xi32, #tpu.memory_space<hbm>>
      %dma_start3A_140 = tpu.memref_squeeze %dma_start3A_139 : memref<1x16xi32, #tpu.memory_space<hbm>> -> memref<16xi32, #tpu.memory_space<hbm>>
      tpu.enqueue_dma source(%dma_start3A_140 : memref<16xi32, #tpu.memory_space<hbm>>) target(%dma_start3A_138 : memref<16xi32, #tpu.memory_space<vmem>>) target_semaphore(%arg13 : memref<!tpu.dma_semaphore, #tpu.memory_space<semaphore_mem>>)
      %add3A_141 = arith.addi %mul3A_2, %mul3A_69 : i32
      %jit3A_142 = arith.constant 8 : i32
      %eq3A_143 = arith.constant 0 : i32
      %eq3A_144 = arith.cmpi eq, %jit3A_142, %eq3A_143 : i32
      %jit3A_145 = arith.constant 1 : i32
      %select_n3A_146 = arith.select %eq3A_144, %jit3A_145, %jit3A_142 : i32
      %rem3A_147 = arith.remsi %add3A_141, %select_n3A_146 : i32
      %ne3A_148 = arith.constant 0 : i32
      %ne3A_149 = arith.cmpi ne, %rem3A_147, %ne3A_148 : i32
      %lt3A_150 = arith.constant 0 : i32
      %lt3A_151 = arith.cmpi slt, %rem3A_147, %lt3A_150 : i32
      %lt3A_152 = arith.constant 0 : i32
      %lt3A_153 = arith.cmpi slt, %select_n3A_146, %lt3A_152 : i32
      %ne3A_154 = arith.xori %lt3A_151, %lt3A_153 : i1
      %and3A_155 = arith.andi %ne3A_154, %ne3A_149 : i1
      %add3A_156 = arith.addi %rem3A_147, %select_n3A_146 : i32
      %select_n3A_157 = arith.select %and3A_155, %add3A_156, %rem3A_147 : i32
      %broadcast_in_dim3A_158 = vector.broadcast %mul3A_69 : i32 to vector<16xi32>
      %gather3A_159 = tpu.vector_load_idx %arg7[%broadcast_in_dim3A_158] : memref<128xi32, #tpu.memory_space<vmem>>[vector<16xi32>], vector<16xi32>,
      %slice3A_160 = vector.extract_strided_slice %gather3A_159 {offsets = [0], sizes = [1], strides = [1]} : vector<16xi32> to vector<1xi32>
      %squeeze3A_161 = vector.extract %slice3A_160[0] : i32 from vector<1xi32>
      %jit3A_162 = arith.constant 16 : i32
      %div3A_163 = arith.divsi %squeeze3A_161, %jit3A_162 : i32
      %sign3A_164 = arith.constant 0 : i32
      %sign3A_165 = arith.cmpi sgt, %squeeze3A_161, %sign3A_164 : i32
      %sign3A_166 = arith.extui %sign3A_165 : i1 to i32
      %sign3A_167 = arith.constant 0 : i32
      %sign3A_168 = arith.cmpi slt, %squeeze3A_161, %sign3A_167 : i32
      %sign3A_169 = arith.extui %sign3A_168 : i1 to i32
      %sign3A_170 = arith.subi %sign3A_166, %sign3A_169 : i32
      %sign3A_171 = arith.constant 0 : i32
      %sign3A_172 = arith.cmpi sgt, %jit3A_162, %sign3A_171 : i32
      %sign3A_173 = arith.extui %sign3A_172 : i1 to i32
      %sign3A_174 = arith.constant 0 : i32
      %sign3A_175 = arith.cmpi slt, %jit3A_162, %sign3A_174 : i32
      %sign3A_176 = arith.extui %sign3A_175 : i1 to i32
      %sign3A_177 = arith.subi %sign3A_173, %sign3A_176 : i32
      %ne3A_178 = arith.cmpi ne, %sign3A_170, %sign3A_177 : i32
      %rem3A_179 = arith.remsi %squeeze3A_161, %jit3A_162 : i32
      %ne3A_180 = arith.constant 0 : i32
      %ne3A_181 = arith.cmpi ne, %rem3A_179, %ne3A_180 : i32
      %and3A_182 = arith.andi %ne3A_178, %ne3A_181 : i1
      %sub3A_183 = arith.constant 1 : i32
      %sub3A_184 = arith.subi %div3A_163, %sub3A_183 : i32
      %select_n3A_185 = arith.select %and3A_182, %sub3A_184, %div3A_163 : i32
      %mul3A_186 = arith.constant 16 : i32
      %mul3A_187 = arith.muli %select_n3A_185, %mul3A_186 : i32
      %dma_wait3A = arith.constant 0 : i32
      %dma_wait3A_188 = arith.constant 0 : i32
      %dma_wait3A_189 = tpu.memref_slice %arg8[%dma_wait3A, %dma_wait3A_188] : memref<2x16xf32, #tpu.memory_space<vmem>> -> memref<1x16xf32, #tpu.memory_space<vmem>>
      %dma_wait3A_190 = tpu.memref_squeeze %dma_wait3A_189 : memref<1x16xf32, #tpu.memory_space<vmem>> -> memref<16xf32, #tpu.memory_space<vmem>>
      %dma_wait3A_191 = tpu.memref_slice %arg2[%add3A_141, %mul3A_187] : memref<4096x32000xf32, #tpu.memory_space<hbm>> -> memref<1x16xf32, #tpu.memory_space<hbm>>
      %dma_wait3A_192 = tpu.memref_squeeze %dma_wait3A_191 : memref<1x16xf32, #tpu.memory_space<hbm>> -> memref<16xf32, #tpu.memory_space<hbm>>
      %dma_wait3A_193 = arith.constant 0 : i32
      %dma_wait3A_194 = tpu.memref_slice %arg8[%dma_wait3A, %dma_wait3A_193] : memref<2x16xf32, #tpu.memory_space<vmem>> -> memref<1x16xf32, #tpu.memory_space<vmem>>
      %dma_wait3A_195 = tpu.memref_squeeze %dma_wait3A_194 : memref<1x16xf32, #tpu.memory_space<vmem>> -> memref<16xf32, #tpu.memory_space<vmem>>
      %dma_wait3A_196 = tpu.memref_slice %arg2[%add3A_141, %mul3A_187] : memref<4096x32000xf32, #tpu.memory_space<hbm>> -> memref<1x16xf32, #tpu.memory_space<hbm>>
      %dma_wait3A_197 = tpu.memref_squeeze %dma_wait3A_196 : memref<1x16xf32, #tpu.memory_space<hbm>> -> memref<16xf32, #tpu.memory_space<hbm>>
      tpu.wait_dma2 semaphore(%arg12 : memref<!tpu.dma_semaphore, #tpu.memory_space<semaphore_mem>>) src(%dma_wait3A_197 : memref<16xf32, #tpu.memory_space<hbm>>) dst(%dma_wait3A_195 : memref<16xf32, #tpu.memory_space<vmem>>)
      %dma_wait3A_198 = arith.constant 0 : i32
      %dma_wait3A_199 = arith.constant 0 : i32
      %dma_wait3A_200 = tpu.memref_slice %arg9[%dma_wait3A_198, %dma_wait3A_199] : memref<2x16xi32, #tpu.memory_space<vmem>> -> memref<1x16xi32, #tpu.memory_space<vmem>>
      %dma_wait3A_201 = tpu.memref_squeeze %dma_wait3A_200 : memref<1x16xi32, #tpu.memory_space<vmem>> -> memref<16xi32, #tpu.memory_space<vmem>>
      %dma_wait3A_202 = tpu.memref_slice %arg4[%select_n3A_157, %mul3A_187] : memref<8x32000xi32, #tpu.memory_space<hbm>> -> memref<1x16xi32, #tpu.memory_space<hbm>>
      %dma_wait3A_203 = tpu.memref_squeeze %dma_wait3A_202 : memref<1x16xi32, #tpu.memory_space<hbm>> -> memref<16xi32, #tpu.memory_space<hbm>>
      %dma_wait3A_204 = arith.constant 0 : i32
      %dma_wait3A_205 = tpu.memref_slice %arg9[%dma_wait3A_198, %dma_wait3A_204] : memref<2x16xi32, #tpu.memory_space<vmem>> -> memref<1x16xi32, #tpu.memory_space<vmem>>
      %dma_wait3A_206 = tpu.memref_squeeze %dma_wait3A_205 : memref<1x16xi32, #tpu.memory_space<vmem>> -> memref<16xi32, #tpu.memory_space<vmem>>
      %dma_wait3A_207 = tpu.memref_slice %arg4[%select_n3A_157, %mul3A_187] : memref<8x32000xi32, #tpu.memory_space<hbm>> -> memref<1x16xi32, #tpu.memory_space<hbm>>
      %dma_wait3A_208 = tpu.memref_squeeze %dma_wait3A_207 : memref<1x16xi32, #tpu.memory_space<hbm>> -> memref<16xi32, #tpu.memory_space<hbm>>
      tpu.wait_dma2 semaphore(%arg12 : memref<!tpu.dma_semaphore, #tpu.memory_space<semaphore_mem>>) src(%dma_wait3A_208 : memref<16xi32, #tpu.memory_space<hbm>>) dst(%dma_wait3A_206 : memref<16xi32, #tpu.memory_space<vmem>>)
      %add3A_209 = arith.addi %mul3A_2, %mul3A_69 : i32
      %jit3A_210 = arith.constant 8 : i32
      %eq3A_211 = arith.constant 0 : i32
      %eq3A_212 = arith.cmpi eq, %jit3A_210, %eq3A_211 : i32
      %jit3A_213 = arith.constant 1 : i32
      %select_n3A_214 = arith.select %eq3A_212, %jit3A_213, %jit3A_210 : i32
      %rem3A_215 = arith.remsi %add3A_209, %select_n3A_214 : i32
      %ne3A_216 = arith.constant 0 : i32
      %ne3A_217 = arith.cmpi ne, %rem3A_215, %ne3A_216 : i32
      %lt3A_218 = arith.constant 0 : i32
      %lt3A_219 = arith.cmpi slt, %rem3A_215, %lt3A_218 : i32
      %lt3A_220 = arith.constant 0 : i32
      %lt3A_221 = arith.cmpi slt, %select_n3A_214, %lt3A_220 : i32
      %ne3A_222 = arith.xori %lt3A_219, %lt3A_221 : i1
      %and3A_223 = arith.andi %ne3A_222, %ne3A_217 : i1
      %add3A_224 = arith.addi %rem3A_215, %select_n3A_214 : i32
      %select_n3A_225 = arith.select %and3A_223, %add3A_224, %rem3A_215 : i32
      %broadcast_in_dim3A_226 = vector.broadcast %mul3A_69 : i32 to vector<16xi32>
      %gather3A_227 = tpu.vector_load_idx %arg7[%broadcast_in_dim3A_226] : memref<128xi32, #tpu.memory_space<vmem>>[vector<16xi32>], vector<16xi32>,
      %slice3A_228 = vector.extract_strided_slice %gather3A_227 {offsets = [0], sizes = [1], strides = [1]} : vector<16xi32> to vector<1xi32>
      %squeeze3A_229 = vector.extract %slice3A_228[0] : i32 from vector<1xi32>
      %jit3A_230 = arith.constant 16 : i32
      %div3A_231 = arith.divsi %squeeze3A_229, %jit3A_230 : i32
      %sign3A_232 = arith.constant 0 : i32
      %sign3A_233 = arith.cmpi sgt, %squeeze3A_229, %sign3A_232 : i32
      %sign3A_234 = arith.extui %sign3A_233 : i1 to i32
      %sign3A_235 = arith.constant 0 : i32
      %sign3A_236 = arith.cmpi slt, %squeeze3A_229, %sign3A_235 : i32
      %sign3A_237 = arith.extui %sign3A_236 : i1 to i32
      %sign3A_238 = arith.subi %sign3A_234, %sign3A_237 : i32
      %sign3A_239 = arith.constant 0 : i32
      %sign3A_240 = arith.cmpi sgt, %jit3A_230, %sign3A_239 : i32
      %sign3A_241 = arith.extui %sign3A_240 : i1 to i32
      %sign3A_242 = arith.constant 0 : i32
      %sign3A_243 = arith.cmpi slt, %jit3A_230, %sign3A_242 : i32
      %sign3A_244 = arith.extui %sign3A_243 : i1 to i32
      %sign3A_245 = arith.subi %sign3A_241, %sign3A_244 : i32
      %ne3A_246 = arith.cmpi ne, %sign3A_238, %sign3A_245 : i32
      %rem3A_247 = arith.remsi %squeeze3A_229, %jit3A_230 : i32
      %ne3A_248 = arith.constant 0 : i32
      %ne3A_249 = arith.cmpi ne, %rem3A_247, %ne3A_248 : i32
      %and3A_250 = arith.andi %ne3A_246, %ne3A_249 : i1
      %sub3A_251 = arith.constant 1 : i32
      %sub3A_252 = arith.subi %div3A_231, %sub3A_251 : i32
      %select_n3A_253 = arith.select %and3A_250, %sub3A_252, %div3A_231 : i32
      %mul3A_254 = arith.constant 16 : i32
      %mul3A_255 = arith.muli %select_n3A_253, %mul3A_254 : i32
      %broadcast_in_dim3A_256 = arith.constant 0 : i32
      %broadcast_in_dim3A_257 = vector.broadcast %broadcast_in_dim3A_256 : i32 to vector<16xi32>
      %jit3A_258 = arith.constant 16 : i32
      %eq3A_259 = arith.constant 0 : i32
      %eq3A_260 = arith.cmpi eq, %jit3A_258, %eq3A_259 : i32
      %jit3A_261 = arith.constant 1 : i32
      %select_n3A_262 = arith.select %eq3A_260, %jit3A_261, %jit3A_258 : i32
      %rem3A_263 = arith.remsi %squeeze3A_229, %select_n3A_262 : i32
      %ne3A_264 = arith.constant 0 : i32
      %ne3A_265 = arith.cmpi ne, %rem3A_263, %ne3A_264 : i32
      %lt3A_266 = arith.constant 0 : i32
      %lt3A_267 = arith.cmpi slt, %rem3A_263, %lt3A_266 : i32
      %lt3A_268 = arith.constant 0 : i32
      %lt3A_269 = arith.cmpi slt, %select_n3A_262, %lt3A_268 : i32
      %ne3A_270 = arith.xori %lt3A_267, %lt3A_269 : i1
      %and3A_271 = arith.andi %ne3A_270, %ne3A_265 : i1
      %add3A_272 = arith.addi %rem3A_263, %select_n3A_262 : i32
      %select_n3A_273 = arith.select %and3A_271, %add3A_272, %rem3A_263 : i32
      %broadcast_in_dim3A_274 = vector.broadcast %select_n3A_273 : i32 to vector<16xi32>
      %gather3A_275 = tpu.vector_load_idx %arg8[%broadcast_in_dim3A_257, %broadcast_in_dim3A_274] : memref<2x16xf32, #tpu.memory_space<vmem>>[vector<16xi32>, vector<16xi32>], vector<16xf32>,
      %gather3A_276 = tpu.vector_load_idx %arg9[%broadcast_in_dim3A_257, %broadcast_in_dim3A_274] : memref<2x16xi32, #tpu.memory_space<vmem>>[vector<16xi32>, vector<16xi32>], vector<16xi32>,
      %broadcast_in_dim3A_277 = vector.broadcast %mul3A_69 : i32 to vector<16xi32>
      tpu.vector_store_idx %arg10[%broadcast_in_dim3A_277], %gather3A_275 masked %eq3A_4 : memref<128xf32, #tpu.memory_space<vmem>>[vector<16xi32>], vector<16xf32>, vector<16xi1>
      tpu.vector_store_idx %arg11[%broadcast_in_dim3A_277], %gather3A_276 masked %eq3A_4 : memref<128xi32, #tpu.memory_space<vmem>>[vector<16xi32>], vector<16xi32>, vector<16xi1>
      %add3A_278 = arith.constant 2 : i32
      %add3A_279 = arith.addi %mul3A_69, %add3A_278 : i32
      %lt3A_280 = arith.constant 128 : i32
      %lt3A_281 = arith.cmpi slt, %add3A_279, %lt3A_280 : i32
      %convert_element_type3A = arith.extui %lt3A_281 : i1 to i32
      %cond3A = arith.constant 0 : i32
      %cond3A_282 = arith.cmpi ne, %convert_element_type3A, %cond3A : i32
      scf.if %cond3A_282 {
        %add3A_425 = arith.constant 2 : i32
        %add3A_426 = arith.addi %mul3A_69, %add3A_425 : i32
        %add3A_427 = arith.addi %mul3A_2, %add3A_426 : i32
        %jit3A_428 = arith.constant 8 : i32
        %eq3A_429 = arith.constant 0 : i32
        %eq3A_430 = arith.cmpi eq, %jit3A_428, %eq3A_429 : i32
        %jit3A_431 = arith.constant 1 : i32
        %select_n3A_432 = arith.select %eq3A_430, %jit3A_431, %jit3A_428 : i32
        %rem3A_433 = arith.remsi %add3A_427, %select_n3A_432 : i32
        %ne3A_434 = arith.constant 0 : i32
        %ne3A_435 = arith.cmpi ne, %rem3A_433, %ne3A_434 : i32
        %lt3A_436 = arith.constant 0 : i32
        %lt3A_437 = arith.cmpi slt, %rem3A_433, %lt3A_436 : i32
        %lt3A_438 = arith.constant 0 : i32
        %lt3A_439 = arith.cmpi slt, %select_n3A_432, %lt3A_438 : i32
        %ne3A_440 = arith.xori %lt3A_437, %lt3A_439 : i1
        %and3A_441 = arith.andi %ne3A_440, %ne3A_435 : i1
        %add3A_442 = arith.addi %rem3A_433, %select_n3A_432 : i32
        %select_n3A_443 = arith.select %and3A_441, %add3A_442, %rem3A_433 : i32
        %broadcast_in_dim3A_444 = vector.broadcast %add3A_426 : i32 to vector<16xi32>
        %gather3A_445 = tpu.vector_load_idx %arg7[%broadcast_in_dim3A_444] : memref<128xi32, #tpu.memory_space<vmem>>[vector<16xi32>], vector<16xi32>,
        %slice3A_446 = vector.extract_strided_slice %gather3A_445 {offsets = [0], sizes = [1], strides = [1]} : vector<16xi32> to vector<1xi32>
        %squeeze3A_447 = vector.extract %slice3A_446[0] : i32 from vector<1xi32>
        %jit3A_448 = arith.constant 16 : i32
        %div3A_449 = arith.divsi %squeeze3A_447, %jit3A_448 : i32
        %sign3A_450 = arith.constant 0 : i32
        %sign3A_451 = arith.cmpi sgt, %squeeze3A_447, %sign3A_450 : i32
        %sign3A_452 = arith.extui %sign3A_451 : i1 to i32
        %sign3A_453 = arith.constant 0 : i32
        %sign3A_454 = arith.cmpi slt, %squeeze3A_447, %sign3A_453 : i32
        %sign3A_455 = arith.extui %sign3A_454 : i1 to i32
        %sign3A_456 = arith.subi %sign3A_452, %sign3A_455 : i32
        %sign3A_457 = arith.constant 0 : i32
        %sign3A_458 = arith.cmpi sgt, %jit3A_448, %sign3A_457 : i32
        %sign3A_459 = arith.extui %sign3A_458 : i1 to i32
        %sign3A_460 = arith.constant 0 : i32
        %sign3A_461 = arith.cmpi slt, %jit3A_448, %sign3A_460 : i32
        %sign3A_462 = arith.extui %sign3A_461 : i1 to i32
        %sign3A_463 = arith.subi %sign3A_459, %sign3A_462 : i32
        %ne3A_464 = arith.cmpi ne, %sign3A_456, %sign3A_463 : i32
        %rem3A_465 = arith.remsi %squeeze3A_447, %jit3A_448 : i32
        %ne3A_466 = arith.constant 0 : i32
        %ne3A_467 = arith.cmpi ne, %rem3A_465, %ne3A_466 : i32
        %and3A_468 = arith.andi %ne3A_464, %ne3A_467 : i1
        %sub3A_469 = arith.constant 1 : i32
        %sub3A_470 = arith.subi %div3A_449, %sub3A_469 : i32
        %select_n3A_471 = arith.select %and3A_468, %sub3A_470, %div3A_449 : i32
        %mul3A_472 = arith.constant 16 : i32
        %mul3A_473 = arith.muli %select_n3A_471, %mul3A_472 : i32
        %dma_start3A_474 = arith.constant 0 : i32
        %dma_start3A_475 = arith.constant 0 : i32
        %dma_start3A_476 = tpu.memref_slice %arg8[%dma_start3A_474, %dma_start3A_475] : memref<2x16xf32, #tpu.memory_space<vmem>> -> memref<1x16xf32, #tpu.memory_space<vmem>>
        %dma_start3A_477 = tpu.memref_squeeze %dma_start3A_476 : memref<1x16xf32, #tpu.memory_space<vmem>> -> memref<16xf32, #tpu.memory_space<vmem>>
        %dma_start3A_478 = tpu.memref_slice %arg2[%add3A_427, %mul3A_473] : memref<4096x32000xf32, #tpu.memory_space<hbm>> -> memref<1x16xf32, #tpu.memory_space<hbm>>
        %dma_start3A_479 = tpu.memref_squeeze %dma_start3A_478 : memref<1x16xf32, #tpu.memory_space<hbm>> -> memref<16xf32, #tpu.memory_space<hbm>>
        %dma_start3A_480 = arith.constant 0 : i32
        %dma_start3A_481 = tpu.memref_slice %arg8[%dma_start3A_474, %dma_start3A_480] : memref<2x16xf32, #tpu.memory_space<vmem>> -> memref<1x16xf32, #tpu.memory_space<vmem>>
        %dma_start3A_482 = tpu.memref_squeeze %dma_start3A_481 : memref<1x16xf32, #tpu.memory_space<vmem>> -> memref<16xf32, #tpu.memory_space<vmem>>
        %dma_start3A_483 = tpu.memref_slice %arg2[%add3A_427, %mul3A_473] : memref<4096x32000xf32, #tpu.memory_space<hbm>> -> memref<1x16xf32, #tpu.memory_space<hbm>>
        %dma_start3A_484 = tpu.memref_squeeze %dma_start3A_483 : memref<1x16xf32, #tpu.memory_space<hbm>> -> memref<16xf32, #tpu.memory_space<hbm>>
        tpu.enqueue_dma source(%dma_start3A_484 : memref<16xf32, #tpu.memory_space<hbm>>) target(%dma_start3A_482 : memref<16xf32, #tpu.memory_space<vmem>>) target_semaphore(%arg12 : memref<!tpu.dma_semaphore, #tpu.memory_space<semaphore_mem>>)
        %dma_start3A_485 = arith.constant 0 : i32
        %dma_start3A_486 = arith.constant 0 : i32
        %dma_start3A_487 = tpu.memref_slice %arg9[%dma_start3A_485, %dma_start3A_486] : memref<2x16xi32, #tpu.memory_space<vmem>> -> memref<1x16xi32, #tpu.memory_space<vmem>>
        %dma_start3A_488 = tpu.memref_squeeze %dma_start3A_487 : memref<1x16xi32, #tpu.memory_space<vmem>> -> memref<16xi32, #tpu.memory_space<vmem>>
        %dma_start3A_489 = tpu.memref_slice %arg4[%select_n3A_443, %mul3A_473] : memref<8x32000xi32, #tpu.memory_space<hbm>> -> memref<1x16xi32, #tpu.memory_space<hbm>>
        %dma_start3A_490 = tpu.memref_squeeze %dma_start3A_489 : memref<1x16xi32, #tpu.memory_space<hbm>> -> memref<16xi32, #tpu.memory_space<hbm>>
        %dma_start3A_491 = arith.constant 0 : i32
        %dma_start3A_492 = tpu.memref_slice %arg9[%dma_start3A_485, %dma_start3A_491] : memref<2x16xi32, #tpu.memory_space<vmem>> -> memref<1x16xi32, #tpu.memory_space<vmem>>
        %dma_start3A_493 = tpu.memref_squeeze %dma_start3A_492 : memref<1x16xi32, #tpu.memory_space<vmem>> -> memref<16xi32, #tpu.memory_space<vmem>>
        %dma_start3A_494 = tpu.memref_slice %arg4[%select_n3A_443, %mul3A_473] : memref<8x32000xi32, #tpu.memory_space<hbm>> -> memref<1x16xi32, #tpu.memory_space<hbm>>
        %dma_start3A_495 = tpu.memref_squeeze %dma_start3A_494 : memref<1x16xi32, #tpu.memory_space<hbm>> -> memref<16xi32, #tpu.memory_space<hbm>>
        tpu.enqueue_dma source(%dma_start3A_495 : memref<16xi32, #tpu.memory_space<hbm>>) target(%dma_start3A_493 : memref<16xi32, #tpu.memory_space<vmem>>) target_semaphore(%arg12 : memref<!tpu.dma_semaphore, #tpu.memory_space<semaphore_mem>>)
      } else {
      }
      %add3A_283 = arith.constant 1 : i32
      %add3A_284 = arith.addi %mul3A_69, %add3A_283 : i32
      %add3A_285 = arith.addi %mul3A_2, %add3A_284 : i32
      %jit3A_286 = arith.constant 8 : i32
      %eq3A_287 = arith.constant 0 : i32
      %eq3A_288 = arith.cmpi eq, %jit3A_286, %eq3A_287 : i32
      %jit3A_289 = arith.constant 1 : i32
      %select_n3A_290 = arith.select %eq3A_288, %jit3A_289, %jit3A_286 : i32
      %rem3A_291 = arith.remsi %add3A_285, %select_n3A_290 : i32
      %ne3A_292 = arith.constant 0 : i32
      %ne3A_293 = arith.cmpi ne, %rem3A_291, %ne3A_292 : i32
      %lt3A_294 = arith.constant 0 : i32
      %lt3A_295 = arith.cmpi slt, %rem3A_291, %lt3A_294 : i32
      %lt3A_296 = arith.constant 0 : i32
      %lt3A_297 = arith.cmpi slt, %select_n3A_290, %lt3A_296 : i32
      %ne3A_298 = arith.xori %lt3A_295, %lt3A_297 : i1
      %and3A_299 = arith.andi %ne3A_298, %ne3A_293 : i1
      %add3A_300 = arith.addi %rem3A_291, %select_n3A_290 : i32
      %select_n3A_301 = arith.select %and3A_299, %add3A_300, %rem3A_291 : i32
      %broadcast_in_dim3A_302 = vector.broadcast %add3A_284 : i32 to vector<16xi32>
      %gather3A_303 = tpu.vector_load_idx %arg7[%broadcast_in_dim3A_302] : memref<128xi32, #tpu.memory_space<vmem>>[vector<16xi32>], vector<16xi32>,
      %slice3A_304 = vector.extract_strided_slice %gather3A_303 {offsets = [0], sizes = [1], strides = [1]} : vector<16xi32> to vector<1xi32>
      %squeeze3A_305 = vector.extract %slice3A_304[0] : i32 from vector<1xi32>
      %jit3A_306 = arith.constant 16 : i32
      %div3A_307 = arith.divsi %squeeze3A_305, %jit3A_306 : i32
      %sign3A_308 = arith.constant 0 : i32
      %sign3A_309 = arith.cmpi sgt, %squeeze3A_305, %sign3A_308 : i32
      %sign3A_310 = arith.extui %sign3A_309 : i1 to i32
      %sign3A_311 = arith.constant 0 : i32
      %sign3A_312 = arith.cmpi slt, %squeeze3A_305, %sign3A_311 : i32
      %sign3A_313 = arith.extui %sign3A_312 : i1 to i32
      %sign3A_314 = arith.subi %sign3A_310, %sign3A_313 : i32
      %sign3A_315 = arith.constant 0 : i32
      %sign3A_316 = arith.cmpi sgt, %jit3A_306, %sign3A_315 : i32
      %sign3A_317 = arith.extui %sign3A_316 : i1 to i32
      %sign3A_318 = arith.constant 0 : i32
      %sign3A_319 = arith.cmpi slt, %jit3A_306, %sign3A_318 : i32
      %sign3A_320 = arith.extui %sign3A_319 : i1 to i32
      %sign3A_321 = arith.subi %sign3A_317, %sign3A_320 : i32
      %ne3A_322 = arith.cmpi ne, %sign3A_314, %sign3A_321 : i32
      %rem3A_323 = arith.remsi %squeeze3A_305, %jit3A_306 : i32
      %ne3A_324 = arith.constant 0 : i32
      %ne3A_325 = arith.cmpi ne, %rem3A_323, %ne3A_324 : i32
      %and3A_326 = arith.andi %ne3A_322, %ne3A_325 : i1
      %sub3A_327 = arith.constant 1 : i32
      %sub3A_328 = arith.subi %div3A_307, %sub3A_327 : i32
      %select_n3A_329 = arith.select %and3A_326, %sub3A_328, %div3A_307 : i32
      %mul3A_330 = arith.constant 16 : i32
      %mul3A_331 = arith.muli %select_n3A_329, %mul3A_330 : i32
      %dma_wait3A_332 = arith.constant 1 : i32
      %dma_wait3A_333 = arith.constant 0 : i32
      %dma_wait3A_334 = tpu.memref_slice %arg8[%dma_wait3A_332, %dma_wait3A_333] : memref<2x16xf32, #tpu.memory_space<vmem>> -> memref<1x16xf32, #tpu.memory_space<vmem>>
      %dma_wait3A_335 = tpu.memref_squeeze %dma_wait3A_334 : memref<1x16xf32, #tpu.memory_space<vmem>> -> memref<16xf32, #tpu.memory_space<vmem>>
      %dma_wait3A_336 = tpu.memref_slice %arg2[%add3A_285, %mul3A_331] : memref<4096x32000xf32, #tpu.memory_space<hbm>> -> memref<1x16xf32, #tpu.memory_space<hbm>>
      %dma_wait3A_337 = tpu.memref_squeeze %dma_wait3A_336 : memref<1x16xf32, #tpu.memory_space<hbm>> -> memref<16xf32, #tpu.memory_space<hbm>>
      %dma_wait3A_338 = arith.constant 0 : i32
      %dma_wait3A_339 = tpu.memref_slice %arg8[%dma_wait3A_332, %dma_wait3A_338] : memref<2x16xf32, #tpu.memory_space<vmem>> -> memref<1x16xf32, #tpu.memory_space<vmem>>
      %dma_wait3A_340 = tpu.memref_squeeze %dma_wait3A_339 : memref<1x16xf32, #tpu.memory_space<vmem>> -> memref<16xf32, #tpu.memory_space<vmem>>
      %dma_wait3A_341 = tpu.memref_slice %arg2[%add3A_285, %mul3A_331] : memref<4096x32000xf32, #tpu.memory_space<hbm>> -> memref<1x16xf32, #tpu.memory_space<hbm>>
      %dma_wait3A_342 = tpu.memref_squeeze %dma_wait3A_341 : memref<1x16xf32, #tpu.memory_space<hbm>> -> memref<16xf32, #tpu.memory_space<hbm>>
      tpu.wait_dma2 semaphore(%arg13 : memref<!tpu.dma_semaphore, #tpu.memory_space<semaphore_mem>>) src(%dma_wait3A_342 : memref<16xf32, #tpu.memory_space<hbm>>) dst(%dma_wait3A_340 : memref<16xf32, #tpu.memory_space<vmem>>)
      %dma_wait3A_343 = arith.constant 1 : i32
      %dma_wait3A_344 = arith.constant 0 : i32
      %dma_wait3A_345 = tpu.memref_slice %arg9[%dma_wait3A_343, %dma_wait3A_344] : memref<2x16xi32, #tpu.memory_space<vmem>> -> memref<1x16xi32, #tpu.memory_space<vmem>>
      %dma_wait3A_346 = tpu.memref_squeeze %dma_wait3A_345 : memref<1x16xi32, #tpu.memory_space<vmem>> -> memref<16xi32, #tpu.memory_space<vmem>>
      %dma_wait3A_347 = tpu.memref_slice %arg4[%select_n3A_301, %mul3A_331] : memref<8x32000xi32, #tpu.memory_space<hbm>> -> memref<1x16xi32, #tpu.memory_space<hbm>>
      %dma_wait3A_348 = tpu.memref_squeeze %dma_wait3A_347 : memref<1x16xi32, #tpu.memory_space<hbm>> -> memref<16xi32, #tpu.memory_space<hbm>>
      %dma_wait3A_349 = arith.constant 0 : i32
      %dma_wait3A_350 = tpu.memref_slice %arg9[%dma_wait3A_343, %dma_wait3A_349] : memref<2x16xi32, #tpu.memory_space<vmem>> -> memref<1x16xi32, #tpu.memory_space<vmem>>
      %dma_wait3A_351 = tpu.memref_squeeze %dma_wait3A_350 : memref<1x16xi32, #tpu.memory_space<vmem>> -> memref<16xi32, #tpu.memory_space<vmem>>
      %dma_wait3A_352 = tpu.memref_slice %arg4[%select_n3A_301, %mul3A_331] : memref<8x32000xi32, #tpu.memory_space<hbm>> -> memref<1x16xi32, #tpu.memory_space<hbm>>
      %dma_wait3A_353 = tpu.memref_squeeze %dma_wait3A_352 : memref<1x16xi32, #tpu.memory_space<hbm>> -> memref<16xi32, #tpu.memory_space<hbm>>
      tpu.wait_dma2 semaphore(%arg13 : memref<!tpu.dma_semaphore, #tpu.memory_space<semaphore_mem>>) src(%dma_wait3A_353 : memref<16xi32, #tpu.memory_space<hbm>>) dst(%dma_wait3A_351 : memref<16xi32, #tpu.memory_space<vmem>>)
      %add3A_354 = arith.constant 1 : i32
      %add3A_355 = arith.addi %mul3A_69, %add3A_354 : i32
      %add3A_356 = arith.addi %mul3A_2, %add3A_355 : i32
      %jit3A_357 = arith.constant 8 : i32
      %eq3A_358 = arith.constant 0 : i32
      %eq3A_359 = arith.cmpi eq, %jit3A_357, %eq3A_358 : i32
      %jit3A_360 = arith.constant 1 : i32
      %select_n3A_361 = arith.select %eq3A_359, %jit3A_360, %jit3A_357 : i32
      %rem3A_362 = arith.remsi %add3A_356, %select_n3A_361 : i32
      %ne3A_363 = arith.constant 0 : i32
      %ne3A_364 = arith.cmpi ne, %rem3A_362, %ne3A_363 : i32
      %lt3A_365 = arith.constant 0 : i32
      %lt3A_366 = arith.cmpi slt, %rem3A_362, %lt3A_365 : i32
      %lt3A_367 = arith.constant 0 : i32
      %lt3A_368 = arith.cmpi slt, %select_n3A_361, %lt3A_367 : i32
      %ne3A_369 = arith.xori %lt3A_366, %lt3A_368 : i1
      %and3A_370 = arith.andi %ne3A_369, %ne3A_364 : i1
      %add3A_371 = arith.addi %rem3A_362, %select_n3A_361 : i32
      %select_n3A_372 = arith.select %and3A_370, %add3A_371, %rem3A_362 : i32
      %broadcast_in_dim3A_373 = vector.broadcast %add3A_355 : i32 to vector<16xi32>
      %gather3A_374 = tpu.vector_load_idx %arg7[%broadcast_in_dim3A_373] : memref<128xi32, #tpu.memory_space<vmem>>[vector<16xi32>], vector<16xi32>,
      %slice3A_375 = vector.extract_strided_slice %gather3A_374 {offsets = [0], sizes = [1], strides = [1]} : vector<16xi32> to vector<1xi32>
      %squeeze3A_376 = vector.extract %slice3A_375[0] : i32 from vector<1xi32>
      %jit3A_377 = arith.constant 16 : i32
      %div3A_378 = arith.divsi %squeeze3A_376, %jit3A_377 : i32
      %sign3A_379 = arith.constant 0 : i32
      %sign3A_380 = arith.cmpi sgt, %squeeze3A_376, %sign3A_379 : i32
      %sign3A_381 = arith.extui %sign3A_380 : i1 to i32
      %sign3A_382 = arith.constant 0 : i32
      %sign3A_383 = arith.cmpi slt, %squeeze3A_376, %sign3A_382 : i32
      %sign3A_384 = arith.extui %sign3A_383 : i1 to i32
      %sign3A_385 = arith.subi %sign3A_381, %sign3A_384 : i32
      %sign3A_386 = arith.constant 0 : i32
      %sign3A_387 = arith.cmpi sgt, %jit3A_377, %sign3A_386 : i32
      %sign3A_388 = arith.extui %sign3A_387 : i1 to i32
      %sign3A_389 = arith.constant 0 : i32
      %sign3A_390 = arith.cmpi slt, %jit3A_377, %sign3A_389 : i32
      %sign3A_391 = arith.extui %sign3A_390 : i1 to i32
      %sign3A_392 = arith.subi %sign3A_388, %sign3A_391 : i32
      %ne3A_393 = arith.cmpi ne, %sign3A_385, %sign3A_392 : i32
      %rem3A_394 = arith.remsi %squeeze3A_376, %jit3A_377 : i32
      %ne3A_395 = arith.constant 0 : i32
      %ne3A_396 = arith.cmpi ne, %rem3A_394, %ne3A_395 : i32
      %and3A_397 = arith.andi %ne3A_393, %ne3A_396 : i1
      %sub3A_398 = arith.constant 1 : i32
      %sub3A_399 = arith.subi %div3A_378, %sub3A_398 : i32
      %select_n3A_400 = arith.select %and3A_397, %sub3A_399, %div3A_378 : i32
      %mul3A_401 = arith.constant 16 : i32
      %mul3A_402 = arith.muli %select_n3A_400, %mul3A_401 : i32
      %broadcast_in_dim3A_403 = arith.constant 1 : i32
      %broadcast_in_dim3A_404 = vector.broadcast %broadcast_in_dim3A_403 : i32 to vector<16xi32>
      %jit3A_405 = arith.constant 16 : i32
      %eq3A_406 = arith.constant 0 : i32
      %eq3A_407 = arith.cmpi eq, %jit3A_405, %eq3A_406 : i32
      %jit3A_408 = arith.constant 1 : i32
      %select_n3A_409 = arith.select %eq3A_407, %jit3A_408, %jit3A_405 : i32
      %rem3A_410 = arith.remsi %squeeze3A_376, %select_n3A_409 : i32
      %ne3A_411 = arith.constant 0 : i32
      %ne3A_412 = arith.cmpi ne, %rem3A_410, %ne3A_411 : i32
      %lt3A_413 = arith.constant 0 : i32
      %lt3A_414 = arith.cmpi slt, %rem3A_410, %lt3A_413 : i32
      %lt3A_415 = arith.constant 0 : i32
      %lt3A_416 = arith.cmpi slt, %select_n3A_409, %lt3A_415 : i32
      %ne3A_417 = arith.xori %lt3A_414, %lt3A_416 : i1
      %and3A_418 = arith.andi %ne3A_417, %ne3A_412 : i1
      %add3A_419 = arith.addi %rem3A_410, %select_n3A_409 : i32
      %select_n3A_420 = arith.select %and3A_418, %add3A_419, %rem3A_410 : i32
      %broadcast_in_dim3A_421 = vector.broadcast %select_n3A_420 : i32 to vector<16xi32>
      %gather3A_422 = tpu.vector_load_idx %arg8[%broadcast_in_dim3A_404, %broadcast_in_dim3A_421] : memref<2x16xf32, #tpu.memory_space<vmem>>[vector<16xi32>, vector<16xi32>], vector<16xf32>,
      %gather3A_423 = tpu.vector_load_idx %arg9[%broadcast_in_dim3A_404, %broadcast_in_dim3A_421] : memref<2x16xi32, #tpu.memory_space<vmem>>[vector<16xi32>, vector<16xi32>], vector<16xi32>,
      %broadcast_in_dim3A_424 = vector.broadcast %add3A_355 : i32 to vector<16xi32>
      tpu.vector_store_idx %arg10[%broadcast_in_dim3A_424], %gather3A_422 masked %eq3A_4 : memref<128xf32, #tpu.memory_space<vmem>>[vector<16xi32>], vector<16xf32>, vector<16xi1>
      tpu.vector_store_idx %arg11[%broadcast_in_dim3A_424], %gather3A_423 masked %eq3A_4 : memref<128xi32, #tpu.memory_space<vmem>>[vector<16xi32>], vector<16xi32>, vector<16xi1>
    }
    %scan3A_66 = arith.constant 64 : i32
    "tpu.region"() ({
      %run_scoped3A = tpu.sem_alloc : memref<!tpu.dma_semaphore, #tpu.memory_space<semaphore_mem>>
      %dma_start3A_67 = tpu.memref_slice %arg5[%mul3A_2] : memref<4096xf32, #tpu.memory_space<hbm>> -> memref<128xf32, #tpu.memory_space<hbm>>
      %dma_start3A_68 = tpu.memref_slice %arg5[%mul3A_2] : memref<4096xf32, #tpu.memory_space<hbm>> -> memref<128xf32, #tpu.memory_space<hbm>>
      tpu.enqueue_dma source(%arg10 : memref<128xf32, #tpu.memory_space<vmem>>) target(%dma_start3A_68 : memref<128xf32, #tpu.memory_space<hbm>>) target_semaphore(%run_scoped3A : memref<!tpu.dma_semaphore, #tpu.memory_space<semaphore_mem>>)
      %dma_wait3A = tpu.memref_slice %arg5[%mul3A_2] : memref<4096xf32, #tpu.memory_space<hbm>> -> memref<128xf32, #tpu.memory_space<hbm>>
      %dma_wait3A_69 = tpu.memref_slice %arg5[%mul3A_2] : memref<4096xf32, #tpu.memory_space<hbm>> -> memref<128xf32, #tpu.memory_space<hbm>>
      tpu.wait_dma2 semaphore(%run_scoped3A : memref<!tpu.dma_semaphore, #tpu.memory_space<semaphore_mem>>) src(%arg10 : memref<128xf32, #tpu.memory_space<vmem>>) dst(%dma_wait3A_69 : memref<128xf32, #tpu.memory_space<hbm>>)
      tpu.yield
    }) : () -> ()
    "tpu.region"() ({
      %run_scoped3A = tpu.sem_alloc : memref<!tpu.dma_semaphore, #tpu.memory_space<semaphore_mem>>
      %dma_start3A_67 = tpu.memref_slice %arg6[%mul3A_2] : memref<4096xi32, #tpu.memory_space<hbm>> -> memref<128xi32, #tpu.memory_space<hbm>>
      %dma_start3A_68 = tpu.memref_slice %arg6[%mul3A_2] : memref<4096xi32, #tpu.memory_space<hbm>> -> memref<128xi32, #tpu.memory_space<hbm>>
      tpu.enqueue_dma source(%arg11 : memref<128xi32, #tpu.memory_space<vmem>>) target(%dma_start3A_68 : memref<128xi32, #tpu.memory_space<hbm>>) target_semaphore(%run_scoped3A : memref<!tpu.dma_semaphore, #tpu.memory_space<semaphore_mem>>)
      %dma_wait3A = tpu.memref_slice %arg6[%mul3A_2] : memref<4096xi32, #tpu.memory_space<hbm>> -> memref<128xi32, #tpu.memory_space<hbm>>
      %dma_wait3A_69 = tpu.memref_slice %arg6[%mul3A_2] : memref<4096xi32, #tpu.memory_space<hbm>> -> memref<128xi32, #tpu.memory_space<hbm>>
      tpu.wait_dma2 semaphore(%run_scoped3A : memref<!tpu.dma_semaphore, #tpu.memory_space<semaphore_mem>>) src(%arg11 : memref<128xi32, #tpu.memory_space<vmem>>) dst(%dma_wait3A_69 : memref<128xi32, #tpu.memory_space<hbm>>)
      tpu.yield
    }) : () -> ()
    return
  }
}

#map = affine_map<(d0, d1) -> (0, 0)>
#map1 = affine_map<(d0, d1) -> (0)>
module attributes {stable_mosaic.version = 14 : i64} {
  func.func @_sc_last_body(%arg0: i32, %arg1: i32, %arg2: memref<8x2048xi32, #tpu.memory_space<hbm>>, %arg3: memref<16xi32, #tpu.memory_space<hbm>>, %arg4: memref<8x32000xi32, #tpu.memory_space<hbm>>, %arg5: memref<2064xi32, #tpu.memory_space<vmem>>, %arg6: memref<16xi32, #tpu.memory_space<vmem>>, %arg7: memref<32000xi32, #tpu.memory_space<vmem>>) attributes {dimension_semantics = [#tpu.dimension_semantics<core_parallel>, #tpu.dimension_semantics<subcore_parallel>], iteration_bounds = array<i64: 2, 16>, scalar_prefetch = 0 : i64, scratch_operands = 3 : i64, tpu.core_type = #tpu.core_type<sc_vector_subcore>, window_params = [{transform_indices = #map}, {transform_indices = #map1}, {transform_indices = #map}]} {
    %mul3A = arith.constant 2 : i32
    %mul3A_0 = arith.muli %arg1, %mul3A : i32
    %add3A = arith.addi %mul3A_0, %arg0 : i32
    %iota3A = tpu.iota {dimensions = array<i32: 0>} : vector<16xi32>
    %eq3A = arith.constant 0 : i32
    %eq3A_1 = vector.broadcast %eq3A : i32 to vector<16xi32>
    %eq3A_2 = arith.cmpi eq, %iota3A, %eq3A_1 : vector<16xi32>
    %lt3A = arith.constant 8 : i32
    %lt3A_3 = arith.cmpi slt, %add3A, %lt3A : i32
    %convert_element_type3A = arith.extui %lt3A_3 : i1 to i32
    %cond3A = arith.constant 0 : i32
    %cond3A_4 = arith.cmpi ne, %convert_element_type3A, %cond3A : i32
    scf.if %cond3A_4 {
      "tpu.region"() ({
        %run_scoped3A = tpu.sem_alloc : memref<!tpu.dma_semaphore, #tpu.memory_space<semaphore_mem>>
        %dma_start3A = arith.constant 0 : i32
        %dma_start3A_44 = tpu.memref_slice %arg5[%dma_start3A] : memref<2064xi32, #tpu.memory_space<vmem>> -> memref<2048xi32, #tpu.memory_space<vmem>>
        %dma_start3A_45 = arith.constant 0 : i32
        %dma_start3A_46 = tpu.memref_slice %arg2[%add3A, %dma_start3A_45] : memref<8x2048xi32, #tpu.memory_space<hbm>> -> memref<1x2048xi32, #tpu.memory_space<hbm>>
        %dma_start3A_47 = tpu.memref_squeeze %dma_start3A_46 : memref<1x2048xi32, #tpu.memory_space<hbm>> -> memref<2048xi32, #tpu.memory_space<hbm>>
        %dma_start3A_48 = arith.constant 0 : i32
        %dma_start3A_49 = tpu.memref_slice %arg5[%dma_start3A_48] : memref<2064xi32, #tpu.memory_space<vmem>> -> memref<2048xi32, #tpu.memory_space<vmem>>
        %dma_start3A_50 = arith.constant 0 : i32
        %dma_start3A_51 = tpu.memref_slice %arg2[%add3A, %dma_start3A_50] : memref<8x2048xi32, #tpu.memory_space<hbm>> -> memref<1x2048xi32, #tpu.memory_space<hbm>>
        %dma_start3A_52 = tpu.memref_squeeze %dma_start3A_51 : memref<1x2048xi32, #tpu.memory_space<hbm>> -> memref<2048xi32, #tpu.memory_space<hbm>>
        tpu.enqueue_dma source(%dma_start3A_52 : memref<2048xi32, #tpu.memory_space<hbm>>) target(%dma_start3A_49 : memref<2048xi32, #tpu.memory_space<vmem>>) target_semaphore(%run_scoped3A : memref<!tpu.dma_semaphore, #tpu.memory_space<semaphore_mem>>)
        %dma_wait3A = arith.constant 0 : i32
        %dma_wait3A_53 = tpu.memref_slice %arg5[%dma_wait3A] : memref<2064xi32, #tpu.memory_space<vmem>> -> memref<2048xi32, #tpu.memory_space<vmem>>
        %dma_wait3A_54 = arith.constant 0 : i32
        %dma_wait3A_55 = tpu.memref_slice %arg2[%add3A, %dma_wait3A_54] : memref<8x2048xi32, #tpu.memory_space<hbm>> -> memref<1x2048xi32, #tpu.memory_space<hbm>>
        %dma_wait3A_56 = tpu.memref_squeeze %dma_wait3A_55 : memref<1x2048xi32, #tpu.memory_space<hbm>> -> memref<2048xi32, #tpu.memory_space<hbm>>
        %dma_wait3A_57 = arith.constant 0 : i32
        %dma_wait3A_58 = tpu.memref_slice %arg5[%dma_wait3A_57] : memref<2064xi32, #tpu.memory_space<vmem>> -> memref<2048xi32, #tpu.memory_space<vmem>>
        %dma_wait3A_59 = arith.constant 0 : i32
        %dma_wait3A_60 = tpu.memref_slice %arg2[%add3A, %dma_wait3A_59] : memref<8x2048xi32, #tpu.memory_space<hbm>> -> memref<1x2048xi32, #tpu.memory_space<hbm>>
        %dma_wait3A_61 = tpu.memref_squeeze %dma_wait3A_60 : memref<1x2048xi32, #tpu.memory_space<hbm>> -> memref<2048xi32, #tpu.memory_space<hbm>>
        tpu.wait_dma2 semaphore(%run_scoped3A : memref<!tpu.dma_semaphore, #tpu.memory_space<semaphore_mem>>) src(%dma_wait3A_61 : memref<2048xi32, #tpu.memory_space<hbm>>) dst(%dma_wait3A_58 : memref<2048xi32, #tpu.memory_space<vmem>>)
        tpu.yield
      }) : () -> ()
      %broadcast_in_dim3A = arith.constant -1 : i32
      %broadcast_in_dim3A_5 = vector.broadcast %broadcast_in_dim3A : i32 to vector<16xi32>
      %swap3A = arith.constant 2048 : index
      %swap3A_6 = tpu.vector_load %arg5[%swap3A] {strides = array<i32>} : memref<2064xi32, #tpu.memory_space<vmem>>, vector<16xi32>,
      tpu.vector_store %arg5[%swap3A], %broadcast_in_dim3A_5 {strides = array<i32>} : memref<2064xi32, #tpu.memory_space<vmem>>, vector<16xi32>,
      "tpu.region"() ({
        %run_scoped3A = tpu.sem_alloc : memref<!tpu.dma_semaphore, #tpu.memory_space<semaphore_mem>>
        tpu.enqueue_dma source(%arg3 : memref<16xi32, #tpu.memory_space<hbm>>) target(%arg6 : memref<16xi32, #tpu.memory_space<vmem>>) target_semaphore(%run_scoped3A : memref<!tpu.dma_semaphore, #tpu.memory_space<semaphore_mem>>)
        tpu.wait_dma2 semaphore(%run_scoped3A : memref<!tpu.dma_semaphore, #tpu.memory_space<semaphore_mem>>) src(%arg3 : memref<16xi32, #tpu.memory_space<hbm>>) dst(%arg6 : memref<16xi32, #tpu.memory_space<vmem>>)
        tpu.yield
      }) : () -> ()
      %get3A = arith.constant 0 : index
      %get3A_7 = tpu.vector_load %arg6[%get3A] {strides = array<i32>} : memref<16xi32, #tpu.memory_space<vmem>>, vector<16xi32>,
      %slice3A = vector.extract_strided_slice %get3A_7 {offsets = [0], sizes = [1], strides = [1]} : vector<16xi32> to vector<1xi32>
      %squeeze3A = vector.extract %slice3A[0] : i32 from vector<1xi32>
      %broadcast_in_dim3A_8 = arith.constant -1 : i32
      %broadcast_in_dim3A_9 = vector.broadcast %broadcast_in_dim3A_8 : i32 to vector<16xi32>
      %scan3A = arith.constant 0 : i32
      %scan3A_10 = arith.constant 0 : i32
      %scan3A_11 = arith.constant 2000 : i32
      %scan3A_12 = arith.addi %scan3A_10, %scan3A_11 : i32
      %scan3A_13 = arith.constant 1 : i32
      scf.for %scan3A_44 = %scan3A_10 to %scan3A_12 step %scan3A_13  : i32 {
        %mul3A_45 = arith.constant 16 : i32
        %mul3A_46 = arith.muli %scan3A_44, %mul3A_45 : i32
        %swap3A_47 = arith.index_cast %mul3A_46 : i32 to index
        %swap3A_48 = tpu.vector_load %arg7[%swap3A_47] {strides = array<i32>} : memref<32000xi32, #tpu.memory_space<vmem>>, vector<16xi32>,
        tpu.vector_store %arg7[%swap3A_47], %broadcast_in_dim3A_9 {strides = array<i32>} : memref<32000xi32, #tpu.memory_space<vmem>>, vector<16xi32>,
      }
      %scan3A_14 = arith.constant 2000 : i32
      %jit3A = arith.constant 16 : i32
      %div3A = arith.divsi %squeeze3A, %jit3A : i32
      %sign3A = arith.constant 0 : i32
      %sign3A_15 = arith.cmpi sgt, %squeeze3A, %sign3A : i32
      %sign3A_16 = arith.extui %sign3A_15 : i1 to i32
      %sign3A_17 = arith.constant 0 : i32
      %sign3A_18 = arith.cmpi slt, %squeeze3A, %sign3A_17 : i32
      %sign3A_19 = arith.extui %sign3A_18 : i1 to i32
      %sign3A_20 = arith.subi %sign3A_16, %sign3A_19 : i32
      %sign3A_21 = arith.constant 0 : i32
      %sign3A_22 = arith.cmpi sgt, %jit3A, %sign3A_21 : i32
      %sign3A_23 = arith.extui %sign3A_22 : i1 to i32
      %sign3A_24 = arith.constant 0 : i32
      %sign3A_25 = arith.cmpi slt, %jit3A, %sign3A_24 : i32
      %sign3A_26 = arith.extui %sign3A_25 : i1 to i32
      %sign3A_27 = arith.subi %sign3A_23, %sign3A_26 : i32
      %ne3A = arith.cmpi ne, %sign3A_20, %sign3A_27 : i32
      %rem3A = arith.remsi %squeeze3A, %jit3A : i32
      %ne3A_28 = arith.constant 0 : i32
      %ne3A_29 = arith.cmpi ne, %rem3A, %ne3A_28 : i32
      %and3A = arith.andi %ne3A, %ne3A_29 : i1
      %sub3A = arith.constant 1 : i32
      %sub3A_30 = arith.subi %div3A, %sub3A : i32
      %select_n3A = arith.select %and3A, %sub3A_30, %div3A : i32
      %min3A = arith.constant 128 : i32
      %min3A_31 = arith.minsi %select_n3A, %min3A : i32
      %max3A = arith.constant 0 : i32
      %max3A_32 = arith.maxsi %max3A, %min3A_31 : i32
      %while3A = arith.constant 0 : i32
      %while3A_33 = arith.constant 128 : i32
      %while3A_34 = arith.subi %while3A_33, %max3A_32 : i32
      %while3A_35 = arith.addi %max3A_32, %while3A_34 : i32
      %while3A_36 = arith.constant 1 : i32
      %while3A_37 = arith.divsi %while3A_34, %while3A_36 : i32
      %while3A_38 = arith.muli %while3A_37, %while3A_36 : i32
      %while3A_39 = arith.addi %max3A_32, %while3A_38 : i32
      %while3A_40 = arith.constant 1 : i32
      scf.for %while3A_44 = %max3A_32 to %while3A_39 step %while3A_40  : i32 {
        %mul3A_45 = arith.constant 16 : i32
        %mul3A_46 = arith.muli %while3A_44, %mul3A_45 : i32
        %get3A_47 = arith.index_cast %mul3A_46 : i32 to index
        %get3A_48 = tpu.vector_load %arg5[%get3A_47] {strides = array<i32>} : memref<2064xi32, #tpu.memory_space<vmem>>, vector<16xi32>,
        %mul3A_49 = arith.constant 16 : i32
        %mul3A_50 = arith.muli %while3A_44, %mul3A_49 : i32
        %add3A_51 = vector.broadcast %mul3A_50 : i32 to vector<16xi32>
        %add3A_52 = arith.addi %add3A_51, %iota3A : vector<16xi32>
        %broadcast_in_dim3A_53 = arith.constant false
        %broadcast_in_dim3A_54 = vector.broadcast %broadcast_in_dim3A_53 : i1 to vector<16xi1>
        %mul3A_55 = arith.constant 16 : i32
        %mul3A_56 = arith.muli %while3A_44, %mul3A_55 : i32
        %add3A_57 = arith.constant 1 : i32
        %add3A_58 = arith.addi %mul3A_56, %add3A_57 : i32
        %get3A_59 = arith.index_cast %add3A_58 : i32 to index
        %get3A_60 = tpu.vector_load %arg5[%get3A_59] {strides = array<i32>} : memref<2064xi32, #tpu.memory_space<vmem>>, vector<16xi32>,
        %eq3A_61 = arith.cmpi eq, %get3A_48, %get3A_60 : vector<16xi32>
        %lt3A_62 = arith.constant 15 : i32
        %lt3A_63 = vector.broadcast %lt3A_62 : i32 to vector<16xi32>
        %lt3A_64 = arith.cmpi slt, %iota3A, %lt3A_63 : vector<16xi32>
        %and3A_65 = arith.andi %eq3A_61, %lt3A_64 : vector<16xi1>
        %or3A = arith.ori %broadcast_in_dim3A_54, %and3A_65 : vector<16xi1>
        %mul3A_66 = arith.constant 16 : i32
        %mul3A_67 = arith.muli %while3A_44, %mul3A_66 : i32
        %add3A_68 = arith.constant 2 : i32
        %add3A_69 = arith.addi %mul3A_67, %add3A_68 : i32
        %get3A_70 = arith.index_cast %add3A_69 : i32 to index
        %get3A_71 = tpu.vector_load %arg5[%get3A_70] {strides = array<i32>} : memref<2064xi32, #tpu.memory_space<vmem>>, vector<16xi32>,
        %eq3A_72 = arith.cmpi eq, %get3A_48, %get3A_71 : vector<16xi32>
        %lt3A_73 = arith.constant 14 : i32
        %lt3A_74 = vector.broadcast %lt3A_73 : i32 to vector<16xi32>
        %lt3A_75 = arith.cmpi slt, %iota3A, %lt3A_74 : vector<16xi32>
        %and3A_76 = arith.andi %eq3A_72, %lt3A_75 : vector<16xi1>
        %or3A_77 = arith.ori %or3A, %and3A_76 : vector<16xi1>
        %mul3A_78 = arith.constant 16 : i32
        %mul3A_79 = arith.muli %while3A_44, %mul3A_78 : i32
        %add3A_80 = arith.constant 3 : i32
        %add3A_81 = arith.addi %mul3A_79, %add3A_80 : i32
        %get3A_82 = arith.index_cast %add3A_81 : i32 to index
        %get3A_83 = tpu.vector_load %arg5[%get3A_82] {strides = array<i32>} : memref<2064xi32, #tpu.memory_space<vmem>>, vector<16xi32>,
        %eq3A_84 = arith.cmpi eq, %get3A_48, %get3A_83 : vector<16xi32>
        %lt3A_85 = arith.constant 13 : i32
        %lt3A_86 = vector.broadcast %lt3A_85 : i32 to vector<16xi32>
        %lt3A_87 = arith.cmpi slt, %iota3A, %lt3A_86 : vector<16xi32>
        %and3A_88 = arith.andi %eq3A_84, %lt3A_87 : vector<16xi1>
        %or3A_89 = arith.ori %or3A_77, %and3A_88 : vector<16xi1>
        %mul3A_90 = arith.constant 16 : i32
        %mul3A_91 = arith.muli %while3A_44, %mul3A_90 : i32
        %add3A_92 = arith.constant 4 : i32
        %add3A_93 = arith.addi %mul3A_91, %add3A_92 : i32
        %get3A_94 = arith.index_cast %add3A_93 : i32 to index
        %get3A_95 = tpu.vector_load %arg5[%get3A_94] {strides = array<i32>} : memref<2064xi32, #tpu.memory_space<vmem>>, vector<16xi32>,
        %eq3A_96 = arith.cmpi eq, %get3A_48, %get3A_95 : vector<16xi32>
        %lt3A_97 = arith.constant 12 : i32
        %lt3A_98 = vector.broadcast %lt3A_97 : i32 to vector<16xi32>
        %lt3A_99 = arith.cmpi slt, %iota3A, %lt3A_98 : vector<16xi32>
        %and3A_100 = arith.andi %eq3A_96, %lt3A_99 : vector<16xi1>
        %or3A_101 = arith.ori %or3A_89, %and3A_100 : vector<16xi1>
        %mul3A_102 = arith.constant 16 : i32
        %mul3A_103 = arith.muli %while3A_44, %mul3A_102 : i32
        %add3A_104 = arith.constant 5 : i32
        %add3A_105 = arith.addi %mul3A_103, %add3A_104 : i32
        %get3A_106 = arith.index_cast %add3A_105 : i32 to index
        %get3A_107 = tpu.vector_load %arg5[%get3A_106] {strides = array<i32>} : memref<2064xi32, #tpu.memory_space<vmem>>, vector<16xi32>,
        %eq3A_108 = arith.cmpi eq, %get3A_48, %get3A_107 : vector<16xi32>
        %lt3A_109 = arith.constant 11 : i32
        %lt3A_110 = vector.broadcast %lt3A_109 : i32 to vector<16xi32>
        %lt3A_111 = arith.cmpi slt, %iota3A, %lt3A_110 : vector<16xi32>
        %and3A_112 = arith.andi %eq3A_108, %lt3A_111 : vector<16xi1>
        %or3A_113 = arith.ori %or3A_101, %and3A_112 : vector<16xi1>
        %mul3A_114 = arith.constant 16 : i32
        %mul3A_115 = arith.muli %while3A_44, %mul3A_114 : i32
        %add3A_116 = arith.constant 6 : i32
        %add3A_117 = arith.addi %mul3A_115, %add3A_116 : i32
        %get3A_118 = arith.index_cast %add3A_117 : i32 to index
        %get3A_119 = tpu.vector_load %arg5[%get3A_118] {strides = array<i32>} : memref<2064xi32, #tpu.memory_space<vmem>>, vector<16xi32>,
        %eq3A_120 = arith.cmpi eq, %get3A_48, %get3A_119 : vector<16xi32>
        %lt3A_121 = arith.constant 10 : i32
        %lt3A_122 = vector.broadcast %lt3A_121 : i32 to vector<16xi32>
        %lt3A_123 = arith.cmpi slt, %iota3A, %lt3A_122 : vector<16xi32>
        %and3A_124 = arith.andi %eq3A_120, %lt3A_123 : vector<16xi1>
        %or3A_125 = arith.ori %or3A_113, %and3A_124 : vector<16xi1>
        %mul3A_126 = arith.constant 16 : i32
        %mul3A_127 = arith.muli %while3A_44, %mul3A_126 : i32
        %add3A_128 = arith.constant 7 : i32
        %add3A_129 = arith.addi %mul3A_127, %add3A_128 : i32
        %get3A_130 = arith.index_cast %add3A_129 : i32 to index
        %get3A_131 = tpu.vector_load %arg5[%get3A_130] {strides = array<i32>} : memref<2064xi32, #tpu.memory_space<vmem>>, vector<16xi32>,
        %eq3A_132 = arith.cmpi eq, %get3A_48, %get3A_131 : vector<16xi32>
        %lt3A_133 = arith.constant 9 : i32
        %lt3A_134 = vector.broadcast %lt3A_133 : i32 to vector<16xi32>
        %lt3A_135 = arith.cmpi slt, %iota3A, %lt3A_134 : vector<16xi32>
        %and3A_136 = arith.andi %eq3A_132, %lt3A_135 : vector<16xi1>
        %or3A_137 = arith.ori %or3A_125, %and3A_136 : vector<16xi1>
        %mul3A_138 = arith.constant 16 : i32
        %mul3A_139 = arith.muli %while3A_44, %mul3A_138 : i32
        %add3A_140 = arith.constant 8 : i32
        %add3A_141 = arith.addi %mul3A_139, %add3A_140 : i32
        %get3A_142 = arith.index_cast %add3A_141 : i32 to index
        %get3A_143 = tpu.vector_load %arg5[%get3A_142] {strides = array<i32>} : memref<2064xi32, #tpu.memory_space<vmem>>, vector<16xi32>,
        %eq3A_144 = arith.cmpi eq, %get3A_48, %get3A_143 : vector<16xi32>
        %lt3A_145 = arith.constant 8 : i32
        %lt3A_146 = vector.broadcast %lt3A_145 : i32 to vector<16xi32>
        %lt3A_147 = arith.cmpi slt, %iota3A, %lt3A_146 : vector<16xi32>
        %and3A_148 = arith.andi %eq3A_144, %lt3A_147 : vector<16xi1>
        %or3A_149 = arith.ori %or3A_137, %and3A_148 : vector<16xi1>
        %mul3A_150 = arith.constant 16 : i32
        %mul3A_151 = arith.muli %while3A_44, %mul3A_150 : i32
        %add3A_152 = arith.constant 9 : i32
        %add3A_153 = arith.addi %mul3A_151, %add3A_152 : i32
        %get3A_154 = arith.index_cast %add3A_153 : i32 to index
        %get3A_155 = tpu.vector_load %arg5[%get3A_154] {strides = array<i32>} : memref<2064xi32, #tpu.memory_space<vmem>>, vector<16xi32>,
        %eq3A_156 = arith.cmpi eq, %get3A_48, %get3A_155 : vector<16xi32>
        %lt3A_157 = arith.constant 7 : i32
        %lt3A_158 = vector.broadcast %lt3A_157 : i32 to vector<16xi32>
        %lt3A_159 = arith.cmpi slt, %iota3A, %lt3A_158 : vector<16xi32>
        %and3A_160 = arith.andi %eq3A_156, %lt3A_159 : vector<16xi1>
        %or3A_161 = arith.ori %or3A_149, %and3A_160 : vector<16xi1>
        %mul3A_162 = arith.constant 16 : i32
        %mul3A_163 = arith.muli %while3A_44, %mul3A_162 : i32
        %add3A_164 = arith.constant 10 : i32
        %add3A_165 = arith.addi %mul3A_163, %add3A_164 : i32
        %get3A_166 = arith.index_cast %add3A_165 : i32 to index
        %get3A_167 = tpu.vector_load %arg5[%get3A_166] {strides = array<i32>} : memref<2064xi32, #tpu.memory_space<vmem>>, vector<16xi32>,
        %eq3A_168 = arith.cmpi eq, %get3A_48, %get3A_167 : vector<16xi32>
        %lt3A_169 = arith.constant 6 : i32
        %lt3A_170 = vector.broadcast %lt3A_169 : i32 to vector<16xi32>
        %lt3A_171 = arith.cmpi slt, %iota3A, %lt3A_170 : vector<16xi32>
        %and3A_172 = arith.andi %eq3A_168, %lt3A_171 : vector<16xi1>
        %or3A_173 = arith.ori %or3A_161, %and3A_172 : vector<16xi1>
        %mul3A_174 = arith.constant 16 : i32
        %mul3A_175 = arith.muli %while3A_44, %mul3A_174 : i32
        %add3A_176 = arith.constant 11 : i32
        %add3A_177 = arith.addi %mul3A_175, %add3A_176 : i32
        %get3A_178 = arith.index_cast %add3A_177 : i32 to index
        %get3A_179 = tpu.vector_load %arg5[%get3A_178] {strides = array<i32>} : memref<2064xi32, #tpu.memory_space<vmem>>, vector<16xi32>,
        %eq3A_180 = arith.cmpi eq, %get3A_48, %get3A_179 : vector<16xi32>
        %lt3A_181 = arith.constant 5 : i32
        %lt3A_182 = vector.broadcast %lt3A_181 : i32 to vector<16xi32>
        %lt3A_183 = arith.cmpi slt, %iota3A, %lt3A_182 : vector<16xi32>
        %and3A_184 = arith.andi %eq3A_180, %lt3A_183 : vector<16xi1>
        %or3A_185 = arith.ori %or3A_173, %and3A_184 : vector<16xi1>
        %mul3A_186 = arith.constant 16 : i32
        %mul3A_187 = arith.muli %while3A_44, %mul3A_186 : i32
        %add3A_188 = arith.constant 12 : i32
        %add3A_189 = arith.addi %mul3A_187, %add3A_188 : i32
        %get3A_190 = arith.index_cast %add3A_189 : i32 to index
        %get3A_191 = tpu.vector_load %arg5[%get3A_190] {strides = array<i32>} : memref<2064xi32, #tpu.memory_space<vmem>>, vector<16xi32>,
        %eq3A_192 = arith.cmpi eq, %get3A_48, %get3A_191 : vector<16xi32>
        %lt3A_193 = arith.constant 4 : i32
        %lt3A_194 = vector.broadcast %lt3A_193 : i32 to vector<16xi32>
        %lt3A_195 = arith.cmpi slt, %iota3A, %lt3A_194 : vector<16xi32>
        %and3A_196 = arith.andi %eq3A_192, %lt3A_195 : vector<16xi1>
        %or3A_197 = arith.ori %or3A_185, %and3A_196 : vector<16xi1>
        %mul3A_198 = arith.constant 16 : i32
        %mul3A_199 = arith.muli %while3A_44, %mul3A_198 : i32
        %add3A_200 = arith.constant 13 : i32
        %add3A_201 = arith.addi %mul3A_199, %add3A_200 : i32
        %get3A_202 = arith.index_cast %add3A_201 : i32 to index
        %get3A_203 = tpu.vector_load %arg5[%get3A_202] {strides = array<i32>} : memref<2064xi32, #tpu.memory_space<vmem>>, vector<16xi32>,
        %eq3A_204 = arith.cmpi eq, %get3A_48, %get3A_203 : vector<16xi32>
        %lt3A_205 = arith.constant 3 : i32
        %lt3A_206 = vector.broadcast %lt3A_205 : i32 to vector<16xi32>
        %lt3A_207 = arith.cmpi slt, %iota3A, %lt3A_206 : vector<16xi32>
        %and3A_208 = arith.andi %eq3A_204, %lt3A_207 : vector<16xi1>
        %or3A_209 = arith.ori %or3A_197, %and3A_208 : vector<16xi1>
        %mul3A_210 = arith.constant 16 : i32
        %mul3A_211 = arith.muli %while3A_44, %mul3A_210 : i32
        %add3A_212 = arith.constant 14 : i32
        %add3A_213 = arith.addi %mul3A_211, %add3A_212 : i32
        %get3A_214 = arith.index_cast %add3A_213 : i32 to index
        %get3A_215 = tpu.vector_load %arg5[%get3A_214] {strides = array<i32>} : memref<2064xi32, #tpu.memory_space<vmem>>, vector<16xi32>,
        %eq3A_216 = arith.cmpi eq, %get3A_48, %get3A_215 : vector<16xi32>
        %lt3A_217 = arith.constant 2 : i32
        %lt3A_218 = vector.broadcast %lt3A_217 : i32 to vector<16xi32>
        %lt3A_219 = arith.cmpi slt, %iota3A, %lt3A_218 : vector<16xi32>
        %and3A_220 = arith.andi %eq3A_216, %lt3A_219 : vector<16xi1>
        %or3A_221 = arith.ori %or3A_209, %and3A_220 : vector<16xi1>
        %mul3A_222 = arith.constant 16 : i32
        %mul3A_223 = arith.muli %while3A_44, %mul3A_222 : i32
        %add3A_224 = arith.constant 15 : i32
        %add3A_225 = arith.addi %mul3A_223, %add3A_224 : i32
        %get3A_226 = arith.index_cast %add3A_225 : i32 to index
        %get3A_227 = tpu.vector_load %arg5[%get3A_226] {strides = array<i32>} : memref<2064xi32, #tpu.memory_space<vmem>>, vector<16xi32>,
        %eq3A_228 = arith.cmpi eq, %get3A_48, %get3A_227 : vector<16xi32>
        %lt3A_229 = arith.constant 1 : i32
        %lt3A_230 = vector.broadcast %lt3A_229 : i32 to vector<16xi32>
        %lt3A_231 = arith.cmpi slt, %iota3A, %lt3A_230 : vector<16xi32>
        %and3A_232 = arith.andi %eq3A_228, %lt3A_231 : vector<16xi1>
        %or3A_233 = arith.ori %or3A_221, %and3A_232 : vector<16xi1>
        %not3A = arith.constant dense<true> : vector<16xi1>
        %not3A_234 = arith.xori %or3A_233, %not3A : vector<16xi1>
        tpu.vector_store_idx %arg7[%get3A_48], %add3A_52 masked %not3A_234 : memref<32000xi32, #tpu.memory_space<vmem>>[vector<16xi32>], vector<16xi32>, vector<16xi1>
      }
      %while3A_41 = arith.constant 1 : i32
      scf.for %while3A_44 = %while3A_39 to %while3A_35 step %while3A_41  : i32 {
        %mul3A_45 = arith.constant 16 : i32
        %mul3A_46 = arith.muli %while3A_44, %mul3A_45 : i32
        %get3A_47 = arith.index_cast %mul3A_46 : i32 to index
        %get3A_48 = tpu.vector_load %arg5[%get3A_47] {strides = array<i32>} : memref<2064xi32, #tpu.memory_space<vmem>>, vector<16xi32>,
        %mul3A_49 = arith.constant 16 : i32
        %mul3A_50 = arith.muli %while3A_44, %mul3A_49 : i32
        %add3A_51 = vector.broadcast %mul3A_50 : i32 to vector<16xi32>
        %add3A_52 = arith.addi %add3A_51, %iota3A : vector<16xi32>
        %broadcast_in_dim3A_53 = arith.constant false
        %broadcast_in_dim3A_54 = vector.broadcast %broadcast_in_dim3A_53 : i1 to vector<16xi1>
        %mul3A_55 = arith.constant 16 : i32
        %mul3A_56 = arith.muli %while3A_44, %mul3A_55 : i32
        %add3A_57 = arith.constant 1 : i32
        %add3A_58 = arith.addi %mul3A_56, %add3A_57 : i32
        %get3A_59 = arith.index_cast %add3A_58 : i32 to index
        %get3A_60 = tpu.vector_load %arg5[%get3A_59] {strides = array<i32>} : memref<2064xi32, #tpu.memory_space<vmem>>, vector<16xi32>,
        %eq3A_61 = arith.cmpi eq, %get3A_48, %get3A_60 : vector<16xi32>
        %lt3A_62 = arith.constant 15 : i32
        %lt3A_63 = vector.broadcast %lt3A_62 : i32 to vector<16xi32>
        %lt3A_64 = arith.cmpi slt, %iota3A, %lt3A_63 : vector<16xi32>
        %and3A_65 = arith.andi %eq3A_61, %lt3A_64 : vector<16xi1>
        %or3A = arith.ori %broadcast_in_dim3A_54, %and3A_65 : vector<16xi1>
        %mul3A_66 = arith.constant 16 : i32
        %mul3A_67 = arith.muli %while3A_44, %mul3A_66 : i32
        %add3A_68 = arith.constant 2 : i32
        %add3A_69 = arith.addi %mul3A_67, %add3A_68 : i32
        %get3A_70 = arith.index_cast %add3A_69 : i32 to index
        %get3A_71 = tpu.vector_load %arg5[%get3A_70] {strides = array<i32>} : memref<2064xi32, #tpu.memory_space<vmem>>, vector<16xi32>,
        %eq3A_72 = arith.cmpi eq, %get3A_48, %get3A_71 : vector<16xi32>
        %lt3A_73 = arith.constant 14 : i32
        %lt3A_74 = vector.broadcast %lt3A_73 : i32 to vector<16xi32>
        %lt3A_75 = arith.cmpi slt, %iota3A, %lt3A_74 : vector<16xi32>
        %and3A_76 = arith.andi %eq3A_72, %lt3A_75 : vector<16xi1>
        %or3A_77 = arith.ori %or3A, %and3A_76 : vector<16xi1>
        %mul3A_78 = arith.constant 16 : i32
        %mul3A_79 = arith.muli %while3A_44, %mul3A_78 : i32
        %add3A_80 = arith.constant 3 : i32
        %add3A_81 = arith.addi %mul3A_79, %add3A_80 : i32
        %get3A_82 = arith.index_cast %add3A_81 : i32 to index
        %get3A_83 = tpu.vector_load %arg5[%get3A_82] {strides = array<i32>} : memref<2064xi32, #tpu.memory_space<vmem>>, vector<16xi32>,
        %eq3A_84 = arith.cmpi eq, %get3A_48, %get3A_83 : vector<16xi32>
        %lt3A_85 = arith.constant 13 : i32
        %lt3A_86 = vector.broadcast %lt3A_85 : i32 to vector<16xi32>
        %lt3A_87 = arith.cmpi slt, %iota3A, %lt3A_86 : vector<16xi32>
        %and3A_88 = arith.andi %eq3A_84, %lt3A_87 : vector<16xi1>
        %or3A_89 = arith.ori %or3A_77, %and3A_88 : vector<16xi1>
        %mul3A_90 = arith.constant 16 : i32
        %mul3A_91 = arith.muli %while3A_44, %mul3A_90 : i32
        %add3A_92 = arith.constant 4 : i32
        %add3A_93 = arith.addi %mul3A_91, %add3A_92 : i32
        %get3A_94 = arith.index_cast %add3A_93 : i32 to index
        %get3A_95 = tpu.vector_load %arg5[%get3A_94] {strides = array<i32>} : memref<2064xi32, #tpu.memory_space<vmem>>, vector<16xi32>,
        %eq3A_96 = arith.cmpi eq, %get3A_48, %get3A_95 : vector<16xi32>
        %lt3A_97 = arith.constant 12 : i32
        %lt3A_98 = vector.broadcast %lt3A_97 : i32 to vector<16xi32>
        %lt3A_99 = arith.cmpi slt, %iota3A, %lt3A_98 : vector<16xi32>
        %and3A_100 = arith.andi %eq3A_96, %lt3A_99 : vector<16xi1>
        %or3A_101 = arith.ori %or3A_89, %and3A_100 : vector<16xi1>
        %mul3A_102 = arith.constant 16 : i32
        %mul3A_103 = arith.muli %while3A_44, %mul3A_102 : i32
        %add3A_104 = arith.constant 5 : i32
        %add3A_105 = arith.addi %mul3A_103, %add3A_104 : i32
        %get3A_106 = arith.index_cast %add3A_105 : i32 to index
        %get3A_107 = tpu.vector_load %arg5[%get3A_106] {strides = array<i32>} : memref<2064xi32, #tpu.memory_space<vmem>>, vector<16xi32>,
        %eq3A_108 = arith.cmpi eq, %get3A_48, %get3A_107 : vector<16xi32>
        %lt3A_109 = arith.constant 11 : i32
        %lt3A_110 = vector.broadcast %lt3A_109 : i32 to vector<16xi32>
        %lt3A_111 = arith.cmpi slt, %iota3A, %lt3A_110 : vector<16xi32>
        %and3A_112 = arith.andi %eq3A_108, %lt3A_111 : vector<16xi1>
        %or3A_113 = arith.ori %or3A_101, %and3A_112 : vector<16xi1>
        %mul3A_114 = arith.constant 16 : i32
        %mul3A_115 = arith.muli %while3A_44, %mul3A_114 : i32
        %add3A_116 = arith.constant 6 : i32
        %add3A_117 = arith.addi %mul3A_115, %add3A_116 : i32
        %get3A_118 = arith.index_cast %add3A_117 : i32 to index
        %get3A_119 = tpu.vector_load %arg5[%get3A_118] {strides = array<i32>} : memref<2064xi32, #tpu.memory_space<vmem>>, vector<16xi32>,
        %eq3A_120 = arith.cmpi eq, %get3A_48, %get3A_119 : vector<16xi32>
        %lt3A_121 = arith.constant 10 : i32
        %lt3A_122 = vector.broadcast %lt3A_121 : i32 to vector<16xi32>
        %lt3A_123 = arith.cmpi slt, %iota3A, %lt3A_122 : vector<16xi32>
        %and3A_124 = arith.andi %eq3A_120, %lt3A_123 : vector<16xi1>
        %or3A_125 = arith.ori %or3A_113, %and3A_124 : vector<16xi1>
        %mul3A_126 = arith.constant 16 : i32
        %mul3A_127 = arith.muli %while3A_44, %mul3A_126 : i32
        %add3A_128 = arith.constant 7 : i32
        %add3A_129 = arith.addi %mul3A_127, %add3A_128 : i32
        %get3A_130 = arith.index_cast %add3A_129 : i32 to index
        %get3A_131 = tpu.vector_load %arg5[%get3A_130] {strides = array<i32>} : memref<2064xi32, #tpu.memory_space<vmem>>, vector<16xi32>,
        %eq3A_132 = arith.cmpi eq, %get3A_48, %get3A_131 : vector<16xi32>
        %lt3A_133 = arith.constant 9 : i32
        %lt3A_134 = vector.broadcast %lt3A_133 : i32 to vector<16xi32>
        %lt3A_135 = arith.cmpi slt, %iota3A, %lt3A_134 : vector<16xi32>
        %and3A_136 = arith.andi %eq3A_132, %lt3A_135 : vector<16xi1>
        %or3A_137 = arith.ori %or3A_125, %and3A_136 : vector<16xi1>
        %mul3A_138 = arith.constant 16 : i32
        %mul3A_139 = arith.muli %while3A_44, %mul3A_138 : i32
        %add3A_140 = arith.constant 8 : i32
        %add3A_141 = arith.addi %mul3A_139, %add3A_140 : i32
        %get3A_142 = arith.index_cast %add3A_141 : i32 to index
        %get3A_143 = tpu.vector_load %arg5[%get3A_142] {strides = array<i32>} : memref<2064xi32, #tpu.memory_space<vmem>>, vector<16xi32>,
        %eq3A_144 = arith.cmpi eq, %get3A_48, %get3A_143 : vector<16xi32>
        %lt3A_145 = arith.constant 8 : i32
        %lt3A_146 = vector.broadcast %lt3A_145 : i32 to vector<16xi32>
        %lt3A_147 = arith.cmpi slt, %iota3A, %lt3A_146 : vector<16xi32>
        %and3A_148 = arith.andi %eq3A_144, %lt3A_147 : vector<16xi1>
        %or3A_149 = arith.ori %or3A_137, %and3A_148 : vector<16xi1>
        %mul3A_150 = arith.constant 16 : i32
        %mul3A_151 = arith.muli %while3A_44, %mul3A_150 : i32
        %add3A_152 = arith.constant 9 : i32
        %add3A_153 = arith.addi %mul3A_151, %add3A_152 : i32
        %get3A_154 = arith.index_cast %add3A_153 : i32 to index
        %get3A_155 = tpu.vector_load %arg5[%get3A_154] {strides = array<i32>} : memref<2064xi32, #tpu.memory_space<vmem>>, vector<16xi32>,
        %eq3A_156 = arith.cmpi eq, %get3A_48, %get3A_155 : vector<16xi32>
        %lt3A_157 = arith.constant 7 : i32
        %lt3A_158 = vector.broadcast %lt3A_157 : i32 to vector<16xi32>
        %lt3A_159 = arith.cmpi slt, %iota3A, %lt3A_158 : vector<16xi32>
        %and3A_160 = arith.andi %eq3A_156, %lt3A_159 : vector<16xi1>
        %or3A_161 = arith.ori %or3A_149, %and3A_160 : vector<16xi1>
        %mul3A_162 = arith.constant 16 : i32
        %mul3A_163 = arith.muli %while3A_44, %mul3A_162 : i32
        %add3A_164 = arith.constant 10 : i32
        %add3A_165 = arith.addi %mul3A_163, %add3A_164 : i32
        %get3A_166 = arith.index_cast %add3A_165 : i32 to index
        %get3A_167 = tpu.vector_load %arg5[%get3A_166] {strides = array<i32>} : memref<2064xi32, #tpu.memory_space<vmem>>, vector<16xi32>,
        %eq3A_168 = arith.cmpi eq, %get3A_48, %get3A_167 : vector<16xi32>
        %lt3A_169 = arith.constant 6 : i32
        %lt3A_170 = vector.broadcast %lt3A_169 : i32 to vector<16xi32>
        %lt3A_171 = arith.cmpi slt, %iota3A, %lt3A_170 : vector<16xi32>
        %and3A_172 = arith.andi %eq3A_168, %lt3A_171 : vector<16xi1>
        %or3A_173 = arith.ori %or3A_161, %and3A_172 : vector<16xi1>
        %mul3A_174 = arith.constant 16 : i32
        %mul3A_175 = arith.muli %while3A_44, %mul3A_174 : i32
        %add3A_176 = arith.constant 11 : i32
        %add3A_177 = arith.addi %mul3A_175, %add3A_176 : i32
        %get3A_178 = arith.index_cast %add3A_177 : i32 to index
        %get3A_179 = tpu.vector_load %arg5[%get3A_178] {strides = array<i32>} : memref<2064xi32, #tpu.memory_space<vmem>>, vector<16xi32>,
        %eq3A_180 = arith.cmpi eq, %get3A_48, %get3A_179 : vector<16xi32>
        %lt3A_181 = arith.constant 5 : i32
        %lt3A_182 = vector.broadcast %lt3A_181 : i32 to vector<16xi32>
        %lt3A_183 = arith.cmpi slt, %iota3A, %lt3A_182 : vector<16xi32>
        %and3A_184 = arith.andi %eq3A_180, %lt3A_183 : vector<16xi1>
        %or3A_185 = arith.ori %or3A_173, %and3A_184 : vector<16xi1>
        %mul3A_186 = arith.constant 16 : i32
        %mul3A_187 = arith.muli %while3A_44, %mul3A_186 : i32
        %add3A_188 = arith.constant 12 : i32
        %add3A_189 = arith.addi %mul3A_187, %add3A_188 : i32
        %get3A_190 = arith.index_cast %add3A_189 : i32 to index
        %get3A_191 = tpu.vector_load %arg5[%get3A_190] {strides = array<i32>} : memref<2064xi32, #tpu.memory_space<vmem>>, vector<16xi32>,
        %eq3A_192 = arith.cmpi eq, %get3A_48, %get3A_191 : vector<16xi32>
        %lt3A_193 = arith.constant 4 : i32
        %lt3A_194 = vector.broadcast %lt3A_193 : i32 to vector<16xi32>
        %lt3A_195 = arith.cmpi slt, %iota3A, %lt3A_194 : vector<16xi32>
        %and3A_196 = arith.andi %eq3A_192, %lt3A_195 : vector<16xi1>
        %or3A_197 = arith.ori %or3A_185, %and3A_196 : vector<16xi1>
        %mul3A_198 = arith.constant 16 : i32
        %mul3A_199 = arith.muli %while3A_44, %mul3A_198 : i32
        %add3A_200 = arith.constant 13 : i32
        %add3A_201 = arith.addi %mul3A_199, %add3A_200 : i32
        %get3A_202 = arith.index_cast %add3A_201 : i32 to index
        %get3A_203 = tpu.vector_load %arg5[%get3A_202] {strides = array<i32>} : memref<2064xi32, #tpu.memory_space<vmem>>, vector<16xi32>,
        %eq3A_204 = arith.cmpi eq, %get3A_48, %get3A_203 : vector<16xi32>
        %lt3A_205 = arith.constant 3 : i32
        %lt3A_206 = vector.broadcast %lt3A_205 : i32 to vector<16xi32>
        %lt3A_207 = arith.cmpi slt, %iota3A, %lt3A_206 : vector<16xi32>
        %and3A_208 = arith.andi %eq3A_204, %lt3A_207 : vector<16xi1>
        %or3A_209 = arith.ori %or3A_197, %and3A_208 : vector<16xi1>
        %mul3A_210 = arith.constant 16 : i32
        %mul3A_211 = arith.muli %while3A_44, %mul3A_210 : i32
        %add3A_212 = arith.constant 14 : i32
        %add3A_213 = arith.addi %mul3A_211, %add3A_212 : i32
        %get3A_214 = arith.index_cast %add3A_213 : i32 to index
        %get3A_215 = tpu.vector_load %arg5[%get3A_214] {strides = array<i32>} : memref<2064xi32, #tpu.memory_space<vmem>>, vector<16xi32>,
        %eq3A_216 = arith.cmpi eq, %get3A_48, %get3A_215 : vector<16xi32>
        %lt3A_217 = arith.constant 2 : i32
        %lt3A_218 = vector.broadcast %lt3A_217 : i32 to vector<16xi32>
        %lt3A_219 = arith.cmpi slt, %iota3A, %lt3A_218 : vector<16xi32>
        %and3A_220 = arith.andi %eq3A_216, %lt3A_219 : vector<16xi1>
        %or3A_221 = arith.ori %or3A_209, %and3A_220 : vector<16xi1>
        %mul3A_222 = arith.constant 16 : i32
        %mul3A_223 = arith.muli %while3A_44, %mul3A_222 : i32
        %add3A_224 = arith.constant 15 : i32
        %add3A_225 = arith.addi %mul3A_223, %add3A_224 : i32
        %get3A_226 = arith.index_cast %add3A_225 : i32 to index
        %get3A_227 = tpu.vector_load %arg5[%get3A_226] {strides = array<i32>} : memref<2064xi32, #tpu.memory_space<vmem>>, vector<16xi32>,
        %eq3A_228 = arith.cmpi eq, %get3A_48, %get3A_227 : vector<16xi32>
        %lt3A_229 = arith.constant 1 : i32
        %lt3A_230 = vector.broadcast %lt3A_229 : i32 to vector<16xi32>
        %lt3A_231 = arith.cmpi slt, %iota3A, %lt3A_230 : vector<16xi32>
        %and3A_232 = arith.andi %eq3A_228, %lt3A_231 : vector<16xi1>
        %or3A_233 = arith.ori %or3A_221, %and3A_232 : vector<16xi1>
        %not3A = arith.constant dense<true> : vector<16xi1>
        %not3A_234 = arith.xori %or3A_233, %not3A : vector<16xi1>
        tpu.vector_store_idx %arg7[%get3A_48], %add3A_52 masked %not3A_234 : memref<32000xi32, #tpu.memory_space<vmem>>[vector<16xi32>], vector<16xi32>, vector<16xi1>
      }
      %broadcast_in_dim3A_42 = arith.constant 0 : i32
      %broadcast_in_dim3A_43 = vector.broadcast %broadcast_in_dim3A_42 : i32 to vector<16xi32>
      tpu.vector_store_idx %arg7[%broadcast_in_dim3A_43], %broadcast_in_dim3A_9 masked %eq3A_2 : memref<32000xi32, #tpu.memory_space<vmem>>[vector<16xi32>], vector<16xi32>, vector<16xi1>
      "tpu.region"() ({
        %run_scoped3A = tpu.sem_alloc : memref<!tpu.dma_semaphore, #tpu.memory_space<semaphore_mem>>
        %dma_start3A = arith.constant 0 : i32
        %dma_start3A_44 = tpu.memref_slice %arg4[%add3A, %dma_start3A] : memref<8x32000xi32, #tpu.memory_space<hbm>> -> memref<1x32000xi32, #tpu.memory_space<hbm>>
        %dma_start3A_45 = tpu.memref_squeeze %dma_start3A_44 : memref<1x32000xi32, #tpu.memory_space<hbm>> -> memref<32000xi32, #tpu.memory_space<hbm>>
        %dma_start3A_46 = arith.constant 0 : i32
        %dma_start3A_47 = tpu.memref_slice %arg4[%add3A, %dma_start3A_46] : memref<8x32000xi32, #tpu.memory_space<hbm>> -> memref<1x32000xi32, #tpu.memory_space<hbm>>
        %dma_start3A_48 = tpu.memref_squeeze %dma_start3A_47 : memref<1x32000xi32, #tpu.memory_space<hbm>> -> memref<32000xi32, #tpu.memory_space<hbm>>
        tpu.enqueue_dma source(%arg7 : memref<32000xi32, #tpu.memory_space<vmem>>) target(%dma_start3A_48 : memref<32000xi32, #tpu.memory_space<hbm>>) target_semaphore(%run_scoped3A : memref<!tpu.dma_semaphore, #tpu.memory_space<semaphore_mem>>)
        %dma_wait3A = arith.constant 0 : i32
        %dma_wait3A_49 = tpu.memref_slice %arg4[%add3A, %dma_wait3A] : memref<8x32000xi32, #tpu.memory_space<hbm>> -> memref<1x32000xi32, #tpu.memory_space<hbm>>
        %dma_wait3A_50 = tpu.memref_squeeze %dma_wait3A_49 : memref<1x32000xi32, #tpu.memory_space<hbm>> -> memref<32000xi32, #tpu.memory_space<hbm>>
        %dma_wait3A_51 = arith.constant 0 : i32
        %dma_wait3A_52 = tpu.memref_slice %arg4[%add3A, %dma_wait3A_51] : memref<8x32000xi32, #tpu.memory_space<hbm>> -> memref<1x32000xi32, #tpu.memory_space<hbm>>
        %dma_wait3A_53 = tpu.memref_squeeze %dma_wait3A_52 : memref<1x32000xi32, #tpu.memory_space<hbm>> -> memref<32000xi32, #tpu.memory_space<hbm>>
        tpu.wait_dma2 semaphore(%run_scoped3A : memref<!tpu.dma_semaphore, #tpu.memory_space<semaphore_mem>>) src(%arg7 : memref<32000xi32, #tpu.memory_space<vmem>>) dst(%dma_wait3A_53 : memref<32000xi32, #tpu.memory_space<hbm>>)
        tpu.yield
      }) : () -> ()
    } else {
    }
    return
  }
}

module attributes {stable_mosaic.version = 14 : i64} {
  func.func @_fused_body(%arg0: i32, %arg1: i32, %arg2: memref<64x8x6400xf32, #tpu.memory_space<vmem>>, %arg3: memref<1x8x6400xi32, #tpu.memory_space<vmem>>, %arg4: memref<16xi32, #tpu.memory_space<smem>>, %arg5: memref<64x8xf32, #tpu.memory_space<vmem>>, %arg6: memref<64x8xf32, #tpu.memory_space<vmem>>, %arg7: memref<64x8xf32, #tpu.memory_space<vmem>>, %arg8: memref<64x8xf32, #tpu.memory_space<vmem>>, %arg9: memref<64x8xf32, #tpu.memory_space<vmem>>, %arg10: memref<64x8xf32, #tpu.memory_space<vmem>>) attributes {dimension_semantics = [#tpu.dimension_semantics<arbitrary>, #tpu.dimension_semantics<arbitrary>], iteration_bounds = array<i64: 8, 5>, scalar_prefetch = 0 : i64, scratch_operands = 3 : i64, tpu.core_type = #tpu.core_type<tc>, window_params = [{transform_indices = @transform_0, window_bounds = array<i64: 64, 8, 6400>}, {transform_indices = @transform_1, window_bounds = array<i64: 1, 8, 6400>}, {transform_indices = @transform_2, window_bounds = array<i64: 16>}, {transform_indices = @transform_3, window_bounds = array<i64: 64, 8>}, {transform_indices = @transform_4, window_bounds = array<i64: 64, 8>}, {transform_indices = @transform_5, window_bounds = array<i64: 64, 8>}]} {
    %get3A = arith.constant 0 : index
    %get3A_0 = memref.load %arg4[%get3A] : memref<16xi32, #tpu.memory_space<smem>>
    %eq3A = arith.constant 0 : i32
    %eq3A_1 = arith.cmpi eq, %arg1, %eq3A : i32
    %convert_element_type3A = arith.extui %eq3A_1 : i1 to i32
    %cond3A = arith.constant 0 : i32
    %cond3A_2 = arith.cmpi ne, %convert_element_type3A, %cond3A : i32
    scf.if %cond3A_2 {
      %broadcast_in_dim3A_56 = arith.constant 0.000000e+00 : f32
      %broadcast_in_dim3A_57 = vector.broadcast %broadcast_in_dim3A_56 : f32 to vector<64x8xf32>
      %swap3A_58 = arith.constant 0 : index
      %swap3A_59 = arith.constant 0 : index
      %swap3A_60 = vector.load %arg8[%swap3A_58, %swap3A_59] : memref<64x8xf32, #tpu.memory_space<vmem>>, vector<64x8xf32>
      tpu.vector_store %arg8[%swap3A_58, %swap3A_59], %broadcast_in_dim3A_57 {strides = array<i32>} : memref<64x8xf32, #tpu.memory_space<vmem>>, vector<64x8xf32>,
      %broadcast_in_dim3A_61 = arith.constant 0.000000e+00 : f32
      %broadcast_in_dim3A_62 = vector.broadcast %broadcast_in_dim3A_61 : f32 to vector<64x8xf32>
      %swap3A_63 = arith.constant 0 : index
      %swap3A_64 = arith.constant 0 : index
      %swap3A_65 = vector.load %arg9[%swap3A_63, %swap3A_64] : memref<64x8xf32, #tpu.memory_space<vmem>>, vector<64x8xf32>
      tpu.vector_store %arg9[%swap3A_63, %swap3A_64], %broadcast_in_dim3A_62 {strides = array<i32>} : memref<64x8xf32, #tpu.memory_space<vmem>>, vector<64x8xf32>,
      %broadcast_in_dim3A_66 = arith.constant 0.000000e+00 : f32
      %broadcast_in_dim3A_67 = vector.broadcast %broadcast_in_dim3A_66 : f32 to vector<64x8xf32>
      %swap3A_68 = arith.constant 0 : index
      %swap3A_69 = arith.constant 0 : index
      %swap3A_70 = vector.load %arg10[%swap3A_68, %swap3A_69] : memref<64x8xf32, #tpu.memory_space<vmem>>, vector<64x8xf32>
      tpu.vector_store %arg10[%swap3A_68, %swap3A_69], %broadcast_in_dim3A_67 {strides = array<i32>} : memref<64x8xf32, #tpu.memory_space<vmem>>, vector<64x8xf32>,
    } else {
    }
    %get3A_3 = arith.constant 0 : index
    %get3A_4 = arith.constant 0 : index
    %get3A_5 = arith.constant 0 : index
    %get3A_6 = vector.load %arg2[%get3A_3, %get3A_4, %get3A_5] : memref<64x8x6400xf32, #tpu.memory_space<vmem>>, vector<64x8x6400xf32>
    %get3A_7 = arith.constant 0 : index
    %get3A_8 = arith.constant 0 : index
    %get3A_9 = arith.constant 0 : index
    %get3A_10 = vector.load %arg3[%get3A_7, %get3A_8, %get3A_9] : memref<1x8x6400xi32, #tpu.memory_space<vmem>>, vector<1x8x6400xi32>
    %get3A_11 = vector.shape_cast %get3A_10 : vector<1x8x6400xi32> to vector<8x6400xi32>
    %mul3A = arith.constant 64 : i32
    %mul3A_12 = arith.muli %arg0, %mul3A : i32
    %iota3A = tpu.iota {dimensions = array<i32: 0>} : vector<64x1x1xi32>
    %add3A = vector.broadcast %mul3A_12 : i32 to vector<64x1x1xi32>
    %add3A_13 = arith.addi %add3A, %iota3A : vector<64x1x1xi32>
    %add3A_14 = vector.broadcast %get3A_0 : i32 to vector<64x1x1xi32>
    %add3A_15 = arith.addi %add3A_14, %add3A_13 : vector<64x1x1xi32>
    %broadcast_in_dim3A = vector.shape_cast %get3A_11 : vector<8x6400xi32> to vector<1x8x6400xi32>
    %ge3A = vector.broadcast %broadcast_in_dim3A : vector<1x8x6400xi32> to vector<64x8x6400xi32>
    %ge3A_16 = vector.broadcast %add3A_15 : vector<64x1x1xi32> to vector<64x8x6400xi32>
    %ge3A_17 = arith.cmpi sge, %ge3A, %ge3A_16 : vector<64x8x6400xi32>
    %get3A_18 = arith.constant 0 : index
    %get3A_19 = arith.constant 0 : index
    %get3A_20 = vector.load %arg8[%get3A_18, %get3A_19] : memref<64x8xf32, #tpu.memory_space<vmem>>, vector<64x8xf32>
    %min3A = arith.constant 6.000000e+01 : f32
    %min3A_21 = vector.broadcast %min3A : f32 to vector<64x8x6400xf32>
    %min3A_22 = arith.minimumf %get3A_6, %min3A_21 : vector<64x8x6400xf32>
    %exp3A = math.exp %min3A_22 : vector<64x8x6400xf32>
    %reduce_sum3A = arith.constant dense<0.000000e+00> : vector<64x8xf32>
    %reduce_sum3A_23 = vector.multi_reduction <add>, %exp3A, %reduce_sum3A [2] : vector<64x8x6400xf32> to vector<64x8xf32>
    %add3A_24 = arith.addf %get3A_20, %reduce_sum3A_23 : vector<64x8xf32>
    %get3A_25 = arith.constant 0 : index
    %get3A_26 = arith.constant 0 : index
    %get3A_27 = vector.load %arg9[%get3A_25, %get3A_26] : memref<64x8xf32, #tpu.memory_space<vmem>>, vector<64x8xf32>
    %jit3A = arith.constant 0.000000e+00 : f32
    %broadcast_in_dim3A_28 = vector.broadcast %jit3A : f32 to vector<64x8x6400xf32>
    %select_n3A = arith.select %ge3A_17, %get3A_6, %broadcast_in_dim3A_28 : vector<64x8x6400xi1>, vector<64x8x6400xf32>
    %reduce_sum3A_29 = arith.constant dense<0.000000e+00> : vector<64x8xf32>
    %reduce_sum3A_30 = vector.multi_reduction <add>, %select_n3A, %reduce_sum3A_29 [2] : vector<64x8x6400xf32> to vector<64x8xf32>
    %add3A_31 = arith.addf %get3A_27, %reduce_sum3A_30 : vector<64x8xf32>
    %get3A_32 = arith.constant 0 : index
    %get3A_33 = arith.constant 0 : index
    %get3A_34 = vector.load %arg10[%get3A_32, %get3A_33] : memref<64x8xf32, #tpu.memory_space<vmem>>, vector<64x8xf32>
    %jit3A_35 = arith.constant 1.000000e+00 : f32
    %jit3A_36 = arith.constant 0.000000e+00 : f32
    %broadcast_in_dim3A_37 = vector.broadcast %jit3A_35 : f32 to vector<64x8x6400xf32>
    %broadcast_in_dim3A_38 = vector.broadcast %jit3A_36 : f32 to vector<64x8x6400xf32>
    %select_n3A_39 = arith.select %ge3A_17, %broadcast_in_dim3A_37, %broadcast_in_dim3A_38 : vector<64x8x6400xi1>, vector<64x8x6400xf32>
    %reduce_sum3A_40 = arith.constant dense<0.000000e+00> : vector<64x8xf32>
    %reduce_sum3A_41 = vector.multi_reduction <add>, %select_n3A_39, %reduce_sum3A_40 [2] : vector<64x8x6400xf32> to vector<64x8xf32>
    %add3A_42 = arith.addf %get3A_34, %reduce_sum3A_41 : vector<64x8xf32>
    %swap3A = arith.constant 0 : index
    %swap3A_43 = arith.constant 0 : index
    %swap3A_44 = vector.load %arg8[%swap3A, %swap3A_43] : memref<64x8xf32, #tpu.memory_space<vmem>>, vector<64x8xf32>
    tpu.vector_store %arg8[%swap3A, %swap3A_43], %add3A_24 {strides = array<i32>} : memref<64x8xf32, #tpu.memory_space<vmem>>, vector<64x8xf32>,
    %swap3A_45 = arith.constant 0 : index
    %swap3A_46 = arith.constant 0 : index
    %swap3A_47 = vector.load %arg9[%swap3A_45, %swap3A_46] : memref<64x8xf32, #tpu.memory_space<vmem>>, vector<64x8xf32>
    tpu.vector_store %arg9[%swap3A_45, %swap3A_46], %add3A_31 {strides = array<i32>} : memref<64x8xf32, #tpu.memory_space<vmem>>, vector<64x8xf32>,
    %swap3A_48 = arith.constant 0 : index
    %swap3A_49 = arith.constant 0 : index
    %swap3A_50 = vector.load %arg10[%swap3A_48, %swap3A_49] : memref<64x8xf32, #tpu.memory_space<vmem>>, vector<64x8xf32>
    tpu.vector_store %arg10[%swap3A_48, %swap3A_49], %add3A_42 {strides = array<i32>} : memref<64x8xf32, #tpu.memory_space<vmem>>, vector<64x8xf32>,
    %eq3A_51 = arith.constant 4 : i32
    %eq3A_52 = arith.cmpi eq, %arg1, %eq3A_51 : i32
    %convert_element_type3A_53 = arith.extui %eq3A_52 : i1 to i32
    %cond3A_54 = arith.constant 0 : i32
    %cond3A_55 = arith.cmpi ne, %convert_element_type3A_53, %cond3A_54 : i32
    scf.if %cond3A_55 {
      %log3A = math.log %add3A_24 : vector<64x8xf32>
      %swap3A_56 = arith.constant 0 : index
      %swap3A_57 = arith.constant 0 : index
      %swap3A_58 = vector.load %arg5[%swap3A_56, %swap3A_57] : memref<64x8xf32, #tpu.memory_space<vmem>>, vector<64x8xf32>
      tpu.vector_store %arg5[%swap3A_56, %swap3A_57], %log3A {strides = array<i32>} : memref<64x8xf32, #tpu.memory_space<vmem>>, vector<64x8xf32>,
      %swap3A_59 = arith.constant 0 : index
      %swap3A_60 = arith.constant 0 : index
      %swap3A_61 = vector.load %arg6[%swap3A_59, %swap3A_60] : memref<64x8xf32, #tpu.memory_space<vmem>>, vector<64x8xf32>
      tpu.vector_store %arg6[%swap3A_59, %swap3A_60], %add3A_31 {strides = array<i32>} : memref<64x8xf32, #tpu.memory_space<vmem>>, vector<64x8xf32>,
      %swap3A_62 = arith.constant 0 : index
      %swap3A_63 = arith.constant 0 : index
      %swap3A_64 = vector.load %arg7[%swap3A_62, %swap3A_63] : memref<64x8xf32, #tpu.memory_space<vmem>>, vector<64x8xf32>
      tpu.vector_store %arg7[%swap3A_62, %swap3A_63], %add3A_42 {strides = array<i32>} : memref<64x8xf32, #tpu.memory_space<vmem>>, vector<64x8xf32>,
    } else {
    }
    return
  }
  func.func @transform_0(%arg0: i32, %arg1: i32) -> (i32, i32, i32) {
    %c0_i32 = arith.constant 0 : i32
    %c0_i32_0 = arith.constant 0 : i32
    return %arg0, %c0_i32, %arg1 : i32, i32, i32
  }
  func.func @transform_1(%arg0: i32, %arg1: i32) -> (i32, i32, i32) {
    %c0_i32 = arith.constant 0 : i32
    %c0_i32_0 = arith.constant 0 : i32
    %c0_i32_1 = arith.constant 0 : i32
    return %c0_i32, %c0_i32_0, %arg1 : i32, i32, i32
  }
  func.func @transform_2(%arg0: i32, %arg1: i32) -> i32 {
    %c0_i32 = arith.constant 0 : i32
    %c0_i32_0 = arith.constant 0 : i32
    return %c0_i32 : i32
  }
  func.func @transform_3(%arg0: i32, %arg1: i32) -> (i32, i32) {
    %c0_i32 = arith.constant 0 : i32
    %c0_i32_0 = arith.constant 0 : i32
    return %arg0, %c0_i32 : i32, i32
  }
  func.func @transform_4(%arg0: i32, %arg1: i32) -> (i32, i32) {
    %c0_i32 = arith.constant 0 : i32
    %c0_i32_0 = arith.constant 0 : i32
    return %arg0, %c0_i32 : i32, i32
  }
  func.func @transform_5(%arg0: i32, %arg1: i32) -> (i32, i32) {
    %c0_i32 = arith.constant 0 : i32
    %c0_i32_0 = arith.constant 0 : i32
    return %arg0, %c0_i32 : i32, i32
  }
}

module attributes {stable_mosaic.version = 14 : i64} {
  func.func @_combine_body(%arg0: memref<512x8xf32, #tpu.memory_space<vmem>>, %arg1: memref<512x8xf32, #tpu.memory_space<vmem>>, %arg2: memref<512x8xf32, #tpu.memory_space<vmem>>, %arg3: memref<512x8xf32, #tpu.memory_space<vmem>>, %arg4: memref<512x8xi32, #tpu.memory_space<vmem>>, %arg5: memref<512x8xi32, #tpu.memory_space<vmem>>, %arg6: memref<1x8xi32, #tpu.memory_space<vmem>>, %arg7: memref<16xi32, #tpu.memory_space<smem>>, %arg8: memref<1x1xf32, #tpu.memory_space<vmem>>) attributes {dimension_semantics = [], scalar_prefetch = 0 : i64, scratch_operands = 0 : i64, tpu.core_type = #tpu.core_type<tc>} {
    %get3A = arith.constant 0 : index
    %get3A_0 = memref.load %arg7[%get3A] : memref<16xi32, #tpu.memory_space<smem>>
    %iota3A = tpu.iota {dimensions = array<i32: 0>} : vector<512x8xi32>
    %add3A = vector.broadcast %get3A_0 : i32 to vector<512x8xi32>
    %add3A_1 = arith.addi %add3A, %iota3A : vector<512x8xi32>
    %get3A_2 = arith.constant 0 : index
    %get3A_3 = arith.constant 0 : index
    %get3A_4 = vector.load %arg6[%get3A_2, %get3A_3] : memref<1x8xi32, #tpu.memory_space<vmem>>, vector<1x8xi32>
    %get3A_5 = vector.shape_cast %get3A_4 : vector<1x8xi32> to vector<8xi32>
    %broadcast_in_dim3A = vector.shape_cast %get3A_5 : vector<8xi32> to vector<1x8xi32>
    %get3A_6 = arith.constant 0 : index
    %get3A_7 = arith.constant 0 : index
    %get3A_8 = vector.load %arg5[%get3A_6, %get3A_7] : memref<512x8xi32, #tpu.memory_space<vmem>>, vector<512x8xi32>
    %get3A_9 = arith.constant 0 : index
    %get3A_10 = arith.constant 0 : index
    %get3A_11 = vector.load %arg4[%get3A_9, %get3A_10] : memref<512x8xi32, #tpu.memory_space<vmem>>, vector<512x8xi32>
    %get3A_12 = arith.constant 0 : index
    %get3A_13 = arith.constant 0 : index
    %get3A_14 = vector.load %arg3[%get3A_12, %get3A_13] : memref<512x8xf32, #tpu.memory_space<vmem>>, vector<512x8xf32>
    %sub3A = arith.constant 2 : i32
    %sub3A_15 = vector.broadcast %sub3A : i32 to vector<1x8xi32>
    %sub3A_16 = arith.subi %broadcast_in_dim3A, %sub3A_15 : vector<1x8xi32>
    %lt3A = vector.broadcast %sub3A_16 : vector<1x8xi32> to vector<512x8xi32>
    %lt3A_17 = arith.cmpi slt, %add3A_1, %lt3A : vector<512x8xi32>
    %convert_element_type3A = arith.sitofp %broadcast_in_dim3A : vector<1x8xi32> to vector<1x8xf32>
    %convert_element_type3A_18 = arith.sitofp %add3A_1 : vector<512x8xi32> to vector<512x8xf32>
    %sub3A_19 = vector.broadcast %convert_element_type3A : vector<1x8xf32> to vector<512x8xf32>
    %sub3A_20 = arith.subf %sub3A_19, %convert_element_type3A_18 : vector<512x8xf32>
    %sub3A_21 = arith.constant 2.000000e+00 : f32
    %sub3A_22 = vector.broadcast %sub3A_21 : f32 to vector<512x8xf32>
    %sub3A_23 = arith.subf %sub3A_20, %sub3A_22 : vector<512x8xf32>
    %div3A = arith.constant 0.899999976 : f32
    %div3A_24 = vector.broadcast %div3A : f32 to vector<512x8xf32>
    %div3A_25 = arith.divf %div3A_24, %sub3A_23 : vector<512x8xf32>
    %jit3A = arith.constant 0.000000e+00 : f32
    %broadcast_in_dim3A_26 = vector.broadcast %jit3A : f32 to vector<512x8xf32>
    %select_n3A = arith.select %lt3A_17, %div3A_25, %broadcast_in_dim3A_26 : vector<512x8xi1>, vector<512x8xf32>
    %ge3A = arith.cmpi sge, %get3A_11, %add3A_1 : vector<512x8xi32>
    %get3A_27 = arith.constant 0 : index
    %get3A_28 = arith.constant 0 : index
    %get3A_29 = vector.load %arg1[%get3A_27, %get3A_28] : memref<512x8xf32, #tpu.memory_space<vmem>>, vector<512x8xf32>
    %jit3A_30 = arith.constant 0.000000e+00 : f32
    %broadcast_in_dim3A_31 = vector.broadcast %jit3A_30 : f32 to vector<512x8xf32>
    %select_n3A_32 = arith.select %ge3A, %get3A_14, %broadcast_in_dim3A_31 : vector<512x8xi1>, vector<512x8xf32>
    %sub3A_33 = arith.subf %get3A_29, %select_n3A_32 : vector<512x8xf32>
    %get3A_34 = arith.constant 0 : index
    %get3A_35 = arith.constant 0 : index
    %get3A_36 = vector.load %arg2[%get3A_34, %get3A_35] : memref<512x8xf32, #tpu.memory_space<vmem>>, vector<512x8xf32>
    %jit3A_37 = arith.constant 1.000000e+00 : f32
    %jit3A_38 = arith.constant 0.000000e+00 : f32
    %broadcast_in_dim3A_39 = vector.broadcast %jit3A_37 : f32 to vector<512x8xf32>
    %broadcast_in_dim3A_40 = vector.broadcast %jit3A_38 : f32 to vector<512x8xf32>
    %select_n3A_41 = arith.select %ge3A, %broadcast_in_dim3A_39, %broadcast_in_dim3A_40 : vector<512x8xi1>, vector<512x8xf32>
    %sub3A_42 = arith.subf %get3A_36, %select_n3A_41 : vector<512x8xf32>
    %ne3A = arith.constant 0 : i32
    %ne3A_43 = vector.broadcast %ne3A : i32 to vector<512x8xi32>
    %ne3A_44 = arith.cmpi ne, %get3A_8, %ne3A_43 : vector<512x8xi32>
    %mul3A = arith.constant 0.899999976 : f32
    %mul3A_45 = vector.broadcast %mul3A : f32 to vector<512x8xf32>
    %mul3A_46 = arith.mulf %mul3A_45, %get3A_14 : vector<512x8xf32>
    %mul3A_47 = arith.mulf %select_n3A, %sub3A_33 : vector<512x8xf32>
    %add3A_48 = arith.addf %mul3A_46, %mul3A_47 : vector<512x8xf32>
    %jit3A_49 = arith.constant 0.000000e+00 : f32
    %broadcast_in_dim3A_50 = vector.broadcast %jit3A_49 : f32 to vector<512x8xf32>
    %select_n3A_51 = arith.select %ne3A_44, %add3A_48, %broadcast_in_dim3A_50 : vector<512x8xi1>, vector<512x8xf32>
    %mul3A_52 = arith.mulf %select_n3A, %sub3A_42 : vector<512x8xf32>
    %add3A_53 = arith.constant 0.899999976 : f32
    %add3A_54 = vector.broadcast %add3A_53 : f32 to vector<512x8xf32>
    %add3A_55 = arith.addf %add3A_54, %mul3A_52 : vector<512x8xf32>
    %jit3A_56 = arith.constant 0.000000e+00 : f32
    %broadcast_in_dim3A_57 = vector.broadcast %jit3A_56 : f32 to vector<512x8xf32>
    %select_n3A_58 = arith.select %ne3A_44, %add3A_55, %broadcast_in_dim3A_57 : vector<512x8xi1>, vector<512x8xf32>
    %get3A_59 = arith.constant 0 : index
    %get3A_60 = arith.constant 0 : index
    %get3A_61 = vector.load %arg0[%get3A_59, %get3A_60] : memref<512x8xf32, #tpu.memory_space<vmem>>, vector<512x8xf32>
    %mul3A_62 = arith.mulf %select_n3A_58, %get3A_61 : vector<512x8xf32>
    %reduce_sum3A = vector.shape_cast %mul3A_62 : vector<512x8xf32> to vector<1x512x8xf32>
    %reduce_sum3A_63 = arith.constant dense<0.000000e+00> : vector<1xf32>
    %reduce_sum3A_64 = vector.multi_reduction <add>, %reduce_sum3A, %reduce_sum3A_63 [1, 2] : vector<1x512x8xf32> to vector<1xf32>
    %reduce_sum3A_65 = vector.shape_cast %reduce_sum3A_64 : vector<1xf32> to vector<1x1x1xf32>
    %reduce_sum3A_66 = vector.extract %reduce_sum3A_65[0, 0, 0] : f32 from vector<1x1x1xf32>
    %reduce_sum3A_67 = vector.shape_cast %select_n3A_51 : vector<512x8xf32> to vector<1x512x8xf32>
    %reduce_sum3A_68 = arith.constant dense<0.000000e+00> : vector<1xf32>
    %reduce_sum3A_69 = vector.multi_reduction <add>, %reduce_sum3A_67, %reduce_sum3A_68 [1, 2] : vector<1x512x8xf32> to vector<1xf32>
    %reduce_sum3A_70 = vector.shape_cast %reduce_sum3A_69 : vector<1xf32> to vector<1x1x1xf32>
    %reduce_sum3A_71 = vector.extract %reduce_sum3A_70[0, 0, 0] : f32 from vector<1x1x1xf32>
    %sub3A_72 = arith.subf %reduce_sum3A_66, %reduce_sum3A_71 : f32
    %reshape3A = vector.broadcast %sub3A_72 : f32 to vector<1x1xf32>
    %swap3A = arith.constant 0 : index
    %swap3A_73 = arith.constant 0 : index
    %swap3A_74 = vector.load %arg8[%swap3A, %swap3A_73] : memref<1x1xf32, #tpu.memory_space<vmem>>, vector<1x1xf32>
    tpu.vector_store %arg8[%swap3A, %swap3A_73], %reshape3A {strides = array<i32>} : memref<1x1xf32, #tpu.memory_space<vmem>>, vector<1x1xf32>,
    return
  }
}

</mosaic_0001>

<sc_bundles>
// kernel: kernel.6.cloned.1.call-start
scs
__scs_entry_jumppad:
0x0: {  	(pc) =	sbr.rel $0x88, $3  }
0x1: {  	(tag) =	ssettag $0x0;
	lr =	simm.s32 $0x1  }
0x2: {  	[smem:$0x3F9B] =	sst lr;
	_ =	strace $0xD0000000  }
0x3: {  	_ = 	snop  }
0x4: {  	_ = 	snop  }
0x5: {  	_ = 	snop  }
0x6: {  	_ = 	snop  }
0x7: {  	_ = 	snop  }
__scs_overlays_trampoline_lowered:
0x8: {  	[smem:$0x3FAA] =	sst s0  }
0x9: {  	[smem:$0x3FAB] =	sst s1  }
0xa: {  	[smem:$0x3FAC] =	sst s2  }
0xb: {  	[smem:$0x3FAD] =	sst s3  }
0xc: {  	[smem:$0x3FAE] =	sst s4  }
0xd: {  	[smem:$0x3FAF] =	sst s5  }
0xe: {  	[smem:$0x3FB0] =	sst s6  }
0xf: {  	[smem:$0x3FB1] =	sst s7  }
0x10: {  	[smem:$0x3FB2] =	sst s8  }
0x11: {  	[smem:$0x3FB3] =	sst s9;
	s0 =	simm.s32 @!p0 $0x0  }
0x12: {  	s1 =	sld [smem:$0x3F99];
	s0 =	simm.s32 @p0 $0x1  }
0x13: {  	[smem:$0x3FB4] =	sst s0;
	s0 =	simm.s32 @!p1 $0x0  }
0x14: {  	s2 =	sld [smem:$0x3F98];
	s0 =	simm.s32 @p1 $0x1  }
0x15: {  	[smem:$0x3FB5] =	sst s0;
	s0 =	simm.s32 @!p2 $0x0  }
0x16: {  	s3 =	sld [smem:$0x3FDB];
	s0 =	simm.s32 @p2 $0x1  }
0x17: {  	s4 =	simm.s32 $0x1BF5;
	[smem:$0x3FB7] =	sst s0  }
0x18: {  	s0 =	sld [smem:$0x3F9A];
	_ =	swait.ge [sflag:s4], $0x0  }
0x19: {  	s7 =	sld [smem:$0x3F9B]  }
0x1a: {  	s8 =	sadd.s32 $0xFFFFE003, lr  }
0x1b: {  	s9 =	sadd.s32 $0xFFFFFEF7, lr;
	s5 =	simm.s32 $0xFFFFFFFF;
	p2 =	slt.u32 s8, $0xFFFFF086  }
0x1c: {  	p1 =	slt.u32 s9, $0xF7A;
	s5 =	simm.s32 @!p2 $0x0  }
0x1d: {  	s5 =	simm.s32 @p1 $0x1;
	p0 =	seq.s32 s7, s2  }
0x1e: {  	s7 =	smul.u32 @!p0 $0xF7A, s2;
	p2 =	seq.s32 @!p0 s5, $0x0  }
0x1f: {  	s9 =	smul.u32 $0xF7A, s1;
	s8 =	simm.s32 @!p0 $0x1BF5;
	p2 =	por !p2, p0  }
0x20: {  	[sflag:s8] =	ssyncset.s32 @!p0 $0xFFFFF086;
	s6 =	sadd.s32 @!p0 s3, s7;
	s7 =	simm.s32 @!p0 $0x108  }
0x21: {  	s3 =	sadd.s32 s3, s9;
	s6 =	sadd.s32 @!p0 $0x88, s6;
	s7 =	simm.s32 @p2 $0x1082  }
0x22: {  	[simem:s7], [sflag:s8] =	dma.local @!p0 [hbm:s6], $0xF7A  }
0x23: {  	s9 =	sor.u32 $0xD0000000, s2;
	s6 =	simm.s32 $0x108;
	_ =	swait.ge @!p0 [sflag:s8], $0x0  }
0x24: {  	s3 =	sadd.s32 $0x88, s3;
	s6 =	simm.s32 @!p1 $0x1082;
	[sflag:s4] =	ssyncset.s32 $0xFFFFF086  }
0x25: {  	[simem:s6], [sflag:s4] =	dma.local [hbm:s3], $0xF7A  }
0x26: {  	[smem:$0x3F9B] =	sst s1;
	(tag) =	ssettag s2;
	_ =	strace s9  }
0x27: {  	s1 =	sld [smem:$0x3FAB]  }
0x28: {  	s2 =	sld [smem:$0x3FAC]  }
0x29: {  	s4 =	sld [smem:$0x3FAE]  }
0x2a: {  	p0 =	seq.s32 s5, $0x0;
	s5 =	sld [smem:$0x3FAF]  }
0x2b: {  	s6 =	sld [smem:$0x3FB0]  }
0x2c: {  	s7 =	sld [smem:$0x3FB1]  }
0x2d: {  	s3 =	simm.s32 $0x108;
	s8 =	sld [smem:$0x3FB2]  }
0x2e: {  	s3 =	simm.s32 @!p0 $0x1082;
	s9 =	sld [smem:$0x3FB3]  }
0x2f: {  	lr =	sadd.s32 s0, s3;
	s0 =	sld [smem:$0x3FAA]  }
0x30: {  	s3 =	sld [smem:$0x3FAD]  }
0x31: {  	[smem:$0x3FB6] =	sst s10  }
0x32: {  	s10 =	sld [smem:$0x3FB4];
	_ =	sdelay $0x3  }
0x33: {  	p0 =	seq.s32 s10, $0x1;
	s10 =	sld [smem:$0x3FB6];
	_ =	sdelay $0x3  }
0x34: {  	[smem:$0x3FB6] =	sst s10  }
0x35: {  	s10 =	sld [smem:$0x3FB5];
	_ =	sdelay $0x3  }
0x36: {  	p1 =	seq.s32 s10, $0x1;
	s10 =	sld [smem:$0x3FB6];
	_ =	sdelay $0x3  }
0x37: {  	[smem:$0x3FB6] =	sst s10  }
0x38: {  	s10 =	sld [smem:$0x3FB7]  }
0x39: {  	_ = 	snop;
	(pc) =	sbr.ind lr, $3  }
0x3a: {  	_ = 	snop  }
0x3b: {  	_ = 	snop  }
0x3c: {  	p2 =	seq.s32 s10, $0x1;
	s10 =	sld [smem:$0x3FB6]  }
0x3d: {  	_ =	shalt  }
0x3e: {  	_ =	shalt  }
0x3f: {  	_ =	shalt  }
0x40: {  	_ =	shalt  }
0x41: {  	_ =	shalt  }
0x42: {  	_ =	shalt  }
0x43: {  	_ =	shalt  }
0x44: {  	_ =	shalt  }
0x45: {  	_ =	shalt  }
0x46: {  	_ =	shalt  }
0x47: {  	_ =	shalt  }
0x48: {  	_ =	shalt  }
0x49: {  	_ =	shalt  }
0x4a: {  	_ =	shalt  }
0x4b: {  	_ =	shalt  }
0x4c: {  	_ =	shalt  }
0x4d: {  	_ =	shalt  }
0x4e: {  	_ =	shalt  }
0x4f: {  	_ =	shalt  }
0x50: {  	_ =	shalt  }
0x51: {  	_ =	shalt  }
0x52: {  	_ =	shalt  }
0x53: {  	_ =	shalt  }
0x54: {  	_ =	shalt  }
0x55: {  	_ =	shalt  }
0x56: {  	_ =	shalt  }
0x57: {  	_ =	shalt  }
0x58: {  	_ =	shalt  }
0x59: {  	_ =	shalt  }
0x5a: {  	_ =	shalt  }
0x5b: {  	_ =	shalt  }
0x5c: {  	_ =	shalt  }
0x5d: {  	_ =	shalt  }
0x5e: {  	_ =	shalt  }
0x5f: {  	_ =	shalt  }
0x60: {  	_ =	shalt  }
0x61: {  	_ =	shalt  }
0x62: {  	_ =	shalt  }
0x63: {  	_ =	shalt  }
0x64: {  	_ =	shalt  }
0x65: {  	_ =	shalt  }
0x66: {  	_ =	shalt  }
0x67: {  	_ =	shalt  }
0x68: {  	_ =	shalt  }
0x69: {  	_ =	shalt  }
0x6a: {  	_ =	shalt  }
0x6b: {  	_ =	shalt  }
0x6c: {  	_ =	shalt  }
0x6d: {  	_ =	shalt  }
0x6e: {  	_ =	shalt  }
0x6f: {  	_ =	shalt  }
0x70: {  	_ =	shalt  }
0x71: {  	_ =	shalt  }
0x72: {  	_ =	shalt  }
0x73: {  	_ =	shalt  }
0x74: {  	_ =	shalt  }
0x75: {  	_ =	shalt  }
0x76: {  	_ =	shalt  }
0x77: {  	_ =	shalt  }
0x78: {  	_ =	shalt  }
0x79: {  	_ =	shalt  }
0x7a: {  	_ =	shalt  }
0x7b: {  	_ =	shalt  }
0x7c: {  	_ =	shalt  }
0x7d: {  	_ =	shalt  }
0x7e: {  	_ =	shalt  }
0x7f: {  	_ =	shalt  }
0x80: {  	_ =	shalt  }
0x81: {  	_ =	shalt  }
0x82: {  	_ =	shalt  }
0x83: {  	_ =	shalt  }
0x84: {  	_ =	shalt  }
0x85: {  	_ =	shalt  }
0x86: {  	_ =	shalt  }
0x87: {  	_ =	shalt  }
.Lfunc_end0:
.L_simem_size_0:
called_computation_lowered:
.L_overlay_start_0:
0x88: {  	s2 =	sld [smem:$0x3FD9]  }
0x89: {  	s3 =	sld [smem:$0x3FFE];
	_ =	sdelay $0x1  }
0x8a: {  	s1 =	srdreg.scid  }
0x8b: {  	s0 =	sand.u32 $0x1, s1  }
0x8c: {  	s17 =	sshll.u32 s0, $0xA;
	s2 =	sadd.s32 s3, s2  }
0x8d: {  	s2 =	sadd.s32 s2, s17  }
0x8e: {  	[smem:$0x3FC2] =	sst s2  }
0x8f: {  	_ = 	snop  }
0x90: {  	s2 =	sld [smem:$0x3FC5]  }
0x91: {  	s18 =	sld [smem:$0x3FD0];
	(tm) =	ssettm $0x1  }
0x92: {  	s4 =	sld [smem:$0x3FFB];
	_ =	sdelay $0x3  }
0x93: {  	_ =	strace s4  }
0x94: {  	s4 =	sld [smem:$0x3FFC];
	_ =	sdelay $0x3  }
0x95: {  	_ =	strace s4  }
0x96: {  	s4 =	sld [smem:$0x3FFD];
	_ =	sdelay $0x3  }
0x97: {  	_ =	strace s4  }
0x98: {  	_ =	strace $0x8FFFFFFF  }
0x99: {  	s19 =	sld [smem:$0x3FDB];
	_ =	sdelay $0x1  }
0x9a: {  	s5 =	simm.s32 $_scs_section_size  }
0x9b: {  	s6 =	simm.s32 $_size__tile_overlayer_lowered;
	s7 =	simm.s32 $_tile_overlayer_lowered  }
0x9c: {  	s22 =	simm.s32 $0x1BFF;
	s21 =	sshll.u32 s7, $0x1;
	s4 =	sadd.s32 s5, s19  }
0x9d: {  	s8 =	simm.s32 $0x0;
	s20 =	sshll.u32 s6, $0x1;
	s6 =	sadd.s32 s21, s4  }
0x9e: {  	[timem:s8], [sflag:s22] =	dma.local [hbm:s6], s20  }
0x9f: {  	_ =	swait.ge [sflag:s22], s20  }
0xa0: {  	s5 =	ssub.s32 $0x0, s20;
	[sflag:s22] =	ssyncset.done $0x0  }
0xa1: {  	[sflag:s22] =	ssyncadd.s32 s5;
	_ =	sdelay $0x1  }
0xa2: {  	s23 =	simm.s32 $0x1B8B  }
0xa3: {  	_ =	swait.ge [sflag:s23], $0x1  }
0xa4: {  	[sflag:s23] =	ssyncset.done $0x0  }
0xa5: {  	s25 =	simm.s32 $0x1B8E;
	s24 =	sld [smem:$0x3FFE];
	[sflag:s23] =	ssyncadd.s32 $0xFFFFFFFF  }
0xa6: {  	s26 =	simm.s32 $execute0_lowered;
	[smem:$0x3FD2] =	sst s25  }
0xa7: {  	s6 =	sshll.u32 s26, $0x1;
	_ =	strace $0x80000046;
	[dreg:$0x1] =	wrdreg $0xFFFFFFFF  }
0xa8: {  	s28 =	simm.s32 $_size_execute0_lowered;
	s4 =	sadd.s32 s4, s6;
	[dreg:$0x0] =	wrdreg $0x0  }
0xa9: {  	s6 =	sshll.u32 s28, $0x1;
	[dreg:$0x2] =	wrdreg s4  }
0xaa: {  	[dreg:$0x3] =	wrdreg s6  }
0xab: {  	[dreg:$0x4] =	wrdreg $0xC0  }
0xac: {  	_ =	task [dreg:s8], $0x5FFFF  }
0xad: {  	[dreg:$0x1] =	wrdreg $0xFFFFFFFF  }
0xae: {  	[dreg:$0x0] =	wrdreg $0x60  }
0xaf: {  	[dreg:$0x2] =	wrdreg s2  }
0xb0: {  	[dreg:$0x3] =	wrdreg s18  }
0xb1: {  	[dreg:$0x4] =	wrdreg s24  }
0xb2: {  	[dreg:$0x5] =	wrdreg $0x9  }
0xb3: {  	_ =	task.clear_ibuf [dreg:s8], $0x6FFFF;
	_ =	strace $0x90000046  }
0xb4: {  	s29 =	simm.s32 $0x9;
	_ =	strace $0x80000048  }
0xb5: {  	_ =	swait.ge [sflag:s29], $0x1  }
0xb6: {  	[sflag:s29] =	ssyncadd.s32 $0xFFFFFFFF  }
0xb7: {  	_ =	strace $0x90000048  }
0xb8: {  	_ =	sfence  }
0xb9: {  	s30 =	sld [smem:$0x0];
	_ =	sdelay $0x2  }
0xba: {  	s31 =	sshll.u32 s1, $0xD;
	s1 =	sshrl.u32 s1, $0x2  }
0xbb: {  	s3 =	sand.u32 $0x4000, s31;
	s1 =	sadd.s32 s1, s30  }
0xbc: {  	s0 =	sor.u32 s3, s0;
	s1 =	sshll.u32 s1, $0x11  }
0xbd: {  	s0 =	sor.u32 s1, s0  }
0xbe: {  	s0 =	sadd.s32 $0x8F2B, s0  }
0xbf: {  	[sflag:s0] =	ssyncadd.remote.s32 $0x1  }
0xc0: {  	_ =	sfence.sel $0xFFFF  }
0xc1: {  	[dreg:$0x0] =	wrdreg $0xFFFFFFFF;
	(pc) =	sbr.abs _section_cstart, $3  }
0xc2: {  	[dreg:$0x1] =	wrdreg $0xFFFFFFFF  }
0xc3: {  	_ =	task.clear_ibuf [dreg:s8], $0x2FFFF;
	_ =	strace $0x9FFFFFFF  }
0xc4: {  	(tm) =	ssettm $0x7FFFFFFF  }
0xc5: {  	_ =	shalt  }
tec
execute0_lowered:
.L_overlay_start_1:
0x0: {  	(tag) =	ssettag $0x1  }
0x1: {  	s1 =	stileid.u32  }
0x2: {  	p0 =	sgt.u32 s1, $0x3  }
.Ltmp0:
0x3: {  	s5 =	rddreg [dreg:$0x0];
	(pc) =	sbr.rel @p0 .LBB2_9-.Ltmp0, $4  }
0x4: {  	s2 =	rddreg [dreg:$0x1]  }
0x5: {  	s4 =	rddreg [dreg:$0x2];
	s3 =	simm.s32 $0x0  }
0x6: {  	[smem:$0x7FF] =	sst s3  }
0x7: {  	s0 =	rddreg [dreg:$0x3];
	_ =	strace $0x80000047  }
0x8: {  	vm0 =	vmmov $0x3;
	v3 =	vimm.s32 $0x0  }
0x9: {  	v0 =	vimm.s32 $0xFFFFFFFF;
	v1 =	vlaneseq.u32;
	v3 =	vsel vm0, $0xFFFFFFFF, v3  }
0xa: {  	vm2 =	vmmov $0x7fff;
	vm1 =	vmmov $0x1;
	[tilespmem:$0x1FFC0] =	vst v3;
	v3 =	vimm.s32 $0x0  }
0xb: {  	s6 =	srdreg.scid;
	s7 =	sshll.u32 s1, $0x5;
	vm3 =	vmmov $0x3fff;
	vm4 =	vmmov $0x1fff;
	s9 =	simm.s32 $0x1;
	v3 =	vsel vm1, $0xFFFFFFFF, v3  }
.Ltmp1:
0xc: {  	vm5 =	vmmov $0xfff;
	vm6 =	vmmov $0x7ff;
	s10 =	simm.s32 $0x880;
	s6 =	sand.u32 $0x1, s6;
	[tilespmem:$0x1FFD0] =	vst v3;
	v3 =	vimm.s32 $0x0;
	(pc) =	sbr.rel .LBB2_2-.Ltmp1, $4  }
0xd: {  	vm7 =	vmmov $0x3ff;
	vm8 =	vmmov $0x1ff;
	s11 =	simm.s32 $0x900;
	s8 =	sshll.u32 s6, $0x4;
	s6 =	ssub.s32 $0x2, s6;
	v3 =	vsel vm2, $0xFFFFFFFF, v3  }
0xe: {  	vm9 =	vmmov $0xff;
	vm10 =	vmmov $0x7f;
	s7 =	sor.u32 s8, s7;
	s31 =	sshrl.u32 s6, $0x1;
	s8 =	simm.s32 $0x400;
	[tilespmem:$0x1FFE0] =	vst v3;
	v3 =	vimm.s32 $0x0  }
0xf: {  	vm11 =	vmmov $0x3f;
	vm12 =	vmmov $0x1f;
	s4 =	sadd.s32 s7, s4;
	s6 =	ssub.s32 s6, s31;
	s5 =	sadd.s32 s5, s7;
	v3 =	vsel vm3, $0xFFFFFFFF, v3  }
0x10: {  	vm13 =	vmmov $0xf;
	vm14 =	vmmov $0x7;
	v2 =	vimm.s32 $0x0;
	s7 =	simm.s32 $0x80;
	s4 =	sadd.s32 $0x1600, s4;
	s6 =	smax.u32 s6, $0x1;
	[tilespmem:$0x1FFF0] =	vst v3  }
.LBB2_7:
0x11: {  	v6 =	vld [tilespmem:s13+$0xFFFFFFFB]  }
0x12: {  	v7 =	vld [tilespmem:s13+$0xFFFFFFFC]  }
0x13: {  	v61 =	vld [tilespmem:$0x1FFC0]  }
0x14: {  	v62 =	vld [tilespmem:$0x1FFD0]  }
0x15: {  	v8 =	vld [tilespmem:s13+$0xFFFFFFFD]  }
0x16: {  	v9 =	vld [tilespmem:s13+$0xFFFFFFFE];
	vm0 =	veq.s32 v3, v4;
	vm1 =	veq.s32 v3, v5  }
0x17: {  	v52 =	vld [tilespmem:s13+$0xFFFFFFFF];
	vm0 =	vmand vm0, vm2;
	vm1 =	vmand vm1, vm3  }
0x18: {  	v53 =	vld [tilespmem:s13+$0x0];
	vm0 =	vmor vm0, vm1;
	vm15 =	veq.s32 v3, v6;
	vm3 =	vnez.u8 v61  }
0x19: {  	v54 =	vld [tilespmem:s13+$0x1];
	vm2 =	vnez.u8 v62;
	vm1 =	vmand vm15, vm4;
	vm15 =	veq.s32 v3, v7  }
0x1a: {  	v55 =	vld [tilespmem:s13+$0x2];
	vm0 =	vmor vm0, vm1;
	vm1 =	vmand vm15, vm5;
	vm15 =	veq.s32 v3, v8  }
0x1b: {  	v56 =	vld [tilespmem:s13+$0x3];
	vm0 =	vmor vm0, vm1;
	vm1 =	vmand vm15, vm6;
	vm15 =	veq.s32 v3, v9  }
0x1c: {  	v57 =	vld [tilespmem:s13+$0x4];
	vm0 =	vmor vm0, vm1;
	vm1 =	vmand vm15, vm7;
	vm15 =	veq.s32 v3, v52  }
0x1d: {  	v58 =	vld [tilespmem:s13+$0x5];
	vm0 =	vmor vm0, vm1;
	vm1 =	vmand vm15, vm8;
	vm15 =	veq.s32 v3, v53  }
0x1e: {  	v59 =	vld [tilespmem:s13+$0x6];
	vm0 =	vmor vm0, vm1;
	vm1 =	vmand vm15, vm9;
	vm15 =	veq.s32 v3, v54  }
0x1f: {  	v60 =	vld [tilespmem:s13+$0x7];
	vm0 =	vmor vm0, vm1;
	vm1 =	vmand vm15, vm10;
	vm15 =	veq.s32 v3, v55  }
0x20: {  	vm0 =	vmor vm0, vm1;
	vm1 =	vmand vm15, vm11;
	vm15 =	veq.s32 v3, v56  }
0x21: {  	vm0 =	vmor vm0, vm1;
	vm1 =	vmand vm15, vm12;
	vm15 =	veq.s32 v3, v57  }
0x22: {  	vm0 =	vmor vm0, vm1;
	vm1 =	vmand vm15, vm13;
	vm15 =	veq.s32 v3, v58  }
0x23: {  	vm0 =	vmor vm0, vm1;
	vm1 =	vmand vm15, vm14;
	vm15 =	veq.s32 v3, v59  }
0x24: {  	vm0 =	vmor vm0, vm1;
	vm1 =	vmand vm15, vm3;
	vm15 =	veq.s32 v3, v60  }
0x25: {  	vm0 =	vmor vm0, vm1;
	vm1 =	vmand vm15, vm2  }
0x26: {  	vm0 =	vmor vm0, vm1  }
0x27: {  	vm0 =	vmneg vm0;
	_ =	sdelay $0x4  }
0x28: {  	v63 =	vor.u32 s12, v1  }
0x29: {  	[tilespmem:v3+s11+$0x0] =	vst.idx.msk vm0, v63;
	v3 =	vld [tilespmem:$0x1FFF0];
	_ =	sdelay $0x4  }
0x2a: {  	vm3 =	vnez.u8 v3;
	v3 =	vld [tilespmem:$0x1FFE0];
	_ =	sdelay $0x4  }
0x2b: {  	vm2 =	vnez.u8 v3  }
.LBB2_8:
0x2c: {  	_ =	sdelay $0x1  }
0x2d: {  	s3 =	sadd.s32 $0x1, s3  }
0x2e: {  	p0 =	sne.s32 s3, s6  }
.Ltmp2:
0x2f: {  	[tilespmem:v2+s11+$0x0] =	vst.idx.msk $0x1, v0;
	(pc) =	sbr.rel @!p0 .LBB2_9-.Ltmp2, $4  }
0x30: {  	[hbm4b:s4+s7] =	stream.strided.scatter [tilespmem:s11], [sflag:$0x1], $0x7D00, s8, s7, $0x38;
	[tilespmem:$0x8600] =	vst v63  }
0x31: {  	_ =	swait.ge [sflag:s9], $0x7D00  }
0x32: {  	[sflag:s9] =	ssyncset.done $0x0  }
0x33: {  	[sflag:s9] =	ssyncadd.s32 $0xFFFF8300  }
.LBB2_2:
0x34: {  	s12 =	simm.s32 $0x0  }
0x35: {  	[tilespmem:s12], [sflag:$0x1] =	stream.strided.gather [hbm4b:s5+s7], $0x800, s8, s7, $0x38;
	[tilespmem:$0x8600] =	vst v63  }
0x36: {  	_ =	swait.ge [sflag:s9], $0x800  }
0x37: {  	[sflag:s9] =	ssyncset.done $0x0  }
0x38: {  	[sflag:s9] =	ssyncadd.s32 $0xFFFFF800  }
0x39: {  	[tilespmem:$0x800] =	vst v0  }
0x3a: {  	[tilespmem:s10], [sflag:$0x1] =	stream.linear.gather [hbm4b:s2+s12], $0x80, $0x38;
	[tilespmem:$0x8600] =	vst v63  }
0x3b: {  	_ =	swait.ge [sflag:s9], $0x80  }
0x3c: {  	[sflag:s9] =	ssyncset.done $0x0  }
0x3d: {  	[sflag:s9] =	ssyncadd.s32 $0xFFFFFF80  }
0x3e: {  	s13 =	simm.s32 $0x40;
	s12 =	simm.s32 $0x0;
	v3 =	vld [tilespmem:$0x880]  }
.LBB2_3:
0x3f: {  	p0 =	sne.s32 s13, $0x1F3C0;
	[tilespmem:s12+$0x900] =	vst v0;
	s12 =	smov.u32 s13;
	s13 =	sadd.s32 $0x40, s13  }
.Ltmp3:
0x40: {  	(pc) =	sbr.rel @p0 .LBB2_3-.Ltmp3, $2  }
0x41: {  	_ =	sdelay $0x2  }
0x42: {  	s12 =	sshra.s32 s12, $0x2  }
0x43: {  	(v2sf) =	vpush v3, $0x0;
	_ =	sdelay $0xe  }
0x44: {  	s13 =	spop (v2sf)  }
0x45: {  	s14 =	sand.u32 $0xF, s13  }
0x46: {  	s31 =	sshra.s32 s13, $0x1F;
	p1 =	slt.s32 s13, $0x1;
	p0 =	sne.s32 s14, $0x0  }
0x47: {  	s14 =	sshrl.u32 s31, $0x1C;
	p0 =	por !p1, !p0  }
0x48: {  	s13 =	sadd.s32 s14, s13;
	s14 =	simm.s32 $0x1;
	p0 =	por !p0, !p0  }
0x49: {  	s13 =	sshra.s32 s13, $0x4;
	s14 =	simm.s32 @!p0 $0x0  }
0x4a: {  	s14 =	ssub.s32 s13, s14  }
0x4b: {  	p0 =	sgt.s32 s14, $0x7F  }
.Ltmp4:
0x4c: {  	_ = 	snop;
	(pc) =	sbr.rel @p0 .LBB2_8-.Ltmp4, $2  }
0x4d: {  	_ =	sdelay $0x2  }
0x4e: {  	[tilespmem:s12+$0x900] =	vst v0  }
0x4f: {  	p0 =	sgt.s32 s14, $0x0  }
0x50: {  	s14 =	simm.s32 @!p0 $0x0  }
0x51: {  	s12 =	sshll.u32 s14, $0x6  }
0x52: {  	s12 =	sshra.s32 s12, $0x2  }
0x53: {  	s13 =	sor.u32 $0x8, s12;
	s12 =	sshll.u32 s14, $0x4  }
0x54: {  	p0 =	sne.s32 s12, $0x7F0  }
.Ltmp5:
0x55: {  	_ = 	snop;
	(pc) =	sbr.rel @!p0 .LBB2_7-.Ltmp5, $4  }
0x56: {  	_ = 	snop  }
0x57: {  	v4 =	vld [tilespmem:s13+$0xFFFFFFF9]  }
0x58: {  	v5 =	vld [tilespmem:s13+$0xFFFFFFFA]  }
0x59: {  	v3 =	vld [tilespmem:s13+$0xFFFFFFF8];
	s14 =	sadd.s32 $0x10, s12  }
.LBB2_6:
0x5a: {  	v6 =	vld [tilespmem:s13+$0xFFFFFFFB]  }
0x5b: {  	v7 =	vld [tilespmem:s13+$0xFFFFFFFC]  }
0x5c: {  	v8 =	vld [tilespmem:s13+$0xFFFFFFFD]  }
0x5d: {  	v9 =	vld [tilespmem:s13+$0xFFFFFFFE]  }
0x5e: {  	vm15 =	veq.s32 v3, v4;
	vm0 =	veq.s32 v3, v5;
	v4 =	vld [tilespmem:s13+$0xFFFFFFFF]  }
0x5f: {  	v5 =	vld [tilespmem:s13+$0x0];
	vm15 =	vmand vm15, vm2;
	vm0 =	vmand vm0, vm3;
	vm1 =	veq.s32 v3, v6  }
0x60: {  	vm0 =	vmor vm15, vm0;
	vm15 =	veq.s32 v3, v7;
	v6 =	vld [tilespmem:s13+$0x1];
	vm1 =	vmand vm1, vm4  }
0x61: {  	v7 =	vld [tilespmem:s13+$0x2];
	vm0 =	vmor vm0, vm1;
	vm1 =	vmand vm15, vm5;
	vm15 =	veq.s32 v3, v8  }
0x62: {  	v63 =	vld [tilespmem:s13+$0x3];
	vm0 =	vmor vm0, vm1;
	vm1 =	vmand vm15, vm6;
	vm15 =	veq.s32 v3, v9  }
0x63: {  	vm0 =	vmor vm0, vm1;
	vm1 =	vmand vm15, vm7;
	vm15 =	veq.s32 v3, v4;
	v4 =	vld [tilespmem:s13+$0x4]  }
0x64: {  	vm0 =	vmor vm0, vm1;
	vm1 =	vmand vm15, vm8;
	vm15 =	veq.s32 v3, v5  }
0x65: {  	vm0 =	vmor vm0, vm1;
	vm1 =	vmand vm15, vm9;
	vm15 =	veq.s32 v3, v6  }
0x66: {  	v5 =	vld [tilespmem:s13+$0x5];
	vm0 =	vmor vm0, vm1;
	vm1 =	vmand vm15, vm10;
	vm15 =	veq.s32 v3, v7  }
0x67: {  	vm0 =	vmor vm0, vm1;
	vm1 =	vmand vm15, vm11;
	vm15 =	veq.s32 v3, v63  }
0x68: {  	vm0 =	vmor vm0, vm1;
	vm1 =	vmand vm15, vm12;
	vm15 =	veq.s32 v3, v4;
	v4 =	vld [tilespmem:$0x1FFC0];
	_ =	sdelay $0x2  }
0x69: {  	v6 =	vld [tilespmem:s13+$0x6];
	vm0 =	vmor vm0, vm1;
	vm1 =	vmand vm15, vm13;
	vm15 =	veq.s32 v3, v5  }
0x6a: {  	v7 =	vld [tilespmem:s13+$0x7];
	vm0 =	vmor vm0, vm1;
	vm1 =	vmand vm15, vm14  }
0x6b: {  	vm0 =	vmor vm0, vm1;
	vm1 =	vnez.u8 v4;
	v4 =	vld [tilespmem:$0x1FFD0];
	_ =	sdelay $0x2  }
0x6c: {  	vm15 =	veq.s32 v3, v6  }
0x6d: {  	vm1 =	vmand vm15, vm1  }
0x6e: {  	vm15 =	veq.s32 v3, v7;
	vm0 =	vmor vm0, vm1;
	vm1 =	vnez.u8 v4  }
0x6f: {  	vm1 =	vmand vm15, vm1  }
0x70: {  	vm0 =	vmor vm0, vm1  }
0x71: {  	vm0 =	vmneg vm0;
	_ =	sdelay $0x3  }
0x72: {  	p0 =	sne.s32 s14, $0x7F0  }
.Ltmp6:
0x73: {  	v4 =	vor.u32 s12, v1;
	(pc) =	sbr.rel @p0 .LBB2_6-.Ltmp6, $4  }
0x74: {  	s13 =	sadd.s32 $0x10, s13;
	[tilespmem:v3+s11+$0x0] =	vst.idx.msk vm0, v4  }
0x75: {  	v4 =	vld [tilespmem:s13+$0xFFFFFFF9]  }
0x76: {  	v5 =	vld [tilespmem:s13+$0xFFFFFFFA]  }
0x77: {  	s12 =	smov.u32 s14;
	s14 =	sadd.s32 $0x10, s14;
	v3 =	vld [tilespmem:s13+$0xFFFFFFF8]  }
.Ltmp7:
0x78: {  	_ = 	snop;
	(pc) =	sbr.rel .LBB2_7-.Ltmp7, $1  }
0x79: {  	_ =	sdelay $0x3  }
.LBB2_9:
0x7a: {  	_ =	sfence.sel $0x180000  }
0x7b: {  	[bflag:$0x0] =	sbarrier.arrive $0xFFFF  }
0x7c: {  	p0 =	sne.s32 s1, $0x0;
	_ =	strace $0x90000047  }
0x7d: {  	s0 =	sadd.s32 @!p0 $0x100000, s0;
	[bflag:$0x2] =	sbarrier.arrive $0xFFFF  }
0x7e: {  	[sflag:s0] =	ssyncadd.tile.s32 @!p0 $0x1;
	_ =	shalt  }
.Lfunc_end2:
_tile_overlayer_lowered:
.L_overlay_start_2:
0x7f: {  	(tag) =	ssettag $0x2  }
0x80: {  	s0 =	rddreg [dreg:$0x0];
	s2 =	stileid.u32  }
0x81: {  	s1 =	rddreg [dreg:$0x1];
	p0 =	sne.s32 s2, $0x0  }
0x82: {  	s3 =	rddreg [dreg:$0x2];
	[bflag:$0x3] =	sbarrier.arrive $0xFFFF;
	s2 =	simm.s32 @!p0 $0x1C01  }
0x83: {  	[timem:s3], [sflag:s2] =	dma.local @!p0 [hbm:s0], s1  }
0x84: {  	s0 =	simm.s32 @!p0 $0x1  }
0x85: {  	_ =	swait.ge @!p0 [sflag:s0], s1  }
0x86: {  	s1 =	ssub.s32 @!p0 $0x0, s1;
	[sflag:s0] =	ssyncset.done @!p0 $0x0  }
0x87: {  	[sflag:s0] =	ssyncadd.s32 @!p0 s1  }
0x88: {  	[bflag:$0x3] =	sbarrier.arrive $0xFFFF  }
0x89: {  	_ =	shalt  }

// kernel: kernel.9.cloned.1.call-start
scs
__scs_entry_jumppad:
0x0: {  	(pc) =	sbr.rel $0x88, $3  }
0x1: {  	(tag) =	ssettag $0x0;
	lr =	simm.s32 $0x1  }
0x2: {  	[smem:$0x3F9B] =	sst lr;
	_ =	strace $0xD0000000  }
0x3: {  	_ = 	snop  }
0x4: {  	_ = 	snop  }
0x5: {  	_ = 	snop  }
0x6: {  	_ = 	snop  }
0x7: {  	_ = 	snop  }
__scs_overlays_trampoline_lowered:
0x8: {  	[smem:$0x3FAA] =	sst s0  }
0x9: {  	[smem:$0x3FAB] =	sst s1  }
0xa: {  	[smem:$0x3FAC] =	sst s2  }
0xb: {  	[smem:$0x3FAD] =	sst s3  }
0xc: {  	[smem:$0x3FAE] =	sst s4  }
0xd: {  	[smem:$0x3FAF] =	sst s5  }
0xe: {  	[smem:$0x3FB0] =	sst s6  }
0xf: {  	[smem:$0x3FB1] =	sst s7  }
0x10: {  	[smem:$0x3FB2] =	sst s8  }
0x11: {  	[smem:$0x3FB3] =	sst s9;
	s0 =	simm.s32 @!p0 $0x0  }
0x12: {  	s1 =	sld [smem:$0x3F99];
	s0 =	simm.s32 @p0 $0x1  }
0x13: {  	[smem:$0x3FB4] =	sst s0;
	s0 =	simm.s32 @!p1 $0x0  }
0x14: {  	s2 =	sld [smem:$0x3F98];
	s0 =	simm.s32 @p1 $0x1  }
0x15: {  	[smem:$0x3FB5] =	sst s0;
	s0 =	simm.s32 @!p2 $0x0  }
0x16: {  	s3 =	sld [smem:$0x3FDB];
	s0 =	simm.s32 @p2 $0x1  }
0x17: {  	s4 =	simm.s32 $0x1BF5;
	[smem:$0x3FB7] =	sst s0  }
0x18: {  	s0 =	sld [smem:$0x3F9A];
	_ =	swait.ge [sflag:s4], $0x0  }
0x19: {  	s7 =	sld [smem:$0x3F9B]  }
0x1a: {  	s8 =	sadd.s32 $0xFFFFE003, lr  }
0x1b: {  	s9 =	sadd.s32 $0xFFFFFEF7, lr;
	s5 =	simm.s32 $0xFFFFFFFF;
	p2 =	slt.u32 s8, $0xFFFFF086  }
0x1c: {  	p1 =	slt.u32 s9, $0xF7A;
	s5 =	simm.s32 @!p2 $0x0  }
0x1d: {  	s5 =	simm.s32 @p1 $0x1;
	p0 =	seq.s32 s7, s2  }
0x1e: {  	s7 =	smul.u32 @!p0 $0xF7A, s2;
	p2 =	seq.s32 @!p0 s5, $0x0  }
0x1f: {  	s9 =	smul.u32 $0xF7A, s1;
	s8 =	simm.s32 @!p0 $0x1BF5;
	p2 =	por !p2, p0  }
0x20: {  	[sflag:s8] =	ssyncset.s32 @!p0 $0xFFFFF086;
	s6 =	sadd.s32 @!p0 s3, s7;
	s7 =	simm.s32 @!p0 $0x108  }
0x21: {  	s3 =	sadd.s32 s3, s9;
	s6 =	sadd.s32 @!p0 $0x88, s6;
	s7 =	simm.s32 @p2 $0x1082  }
0x22: {  	[simem:s7], [sflag:s8] =	dma.local @!p0 [hbm:s6], $0xF7A  }
0x23: {  	s9 =	sor.u32 $0xD0000000, s2;
	s6 =	simm.s32 $0x108;
	_ =	swait.ge @!p0 [sflag:s8], $0x0  }
0x24: {  	s3 =	sadd.s32 $0x88, s3;
	s6 =	simm.s32 @!p1 $0x1082;
	[sflag:s4] =	ssyncset.s32 $0xFFFFF086  }
0x25: {  	[simem:s6], [sflag:s4] =	dma.local [hbm:s3], $0xF7A  }
0x26: {  	[smem:$0x3F9B] =	sst s1;
	(tag) =	ssettag s2;
	_ =	strace s9  }
0x27: {  	s1 =	sld [smem:$0x3FAB]  }
0x28: {  	s2 =	sld [smem:$0x3FAC]  }
0x29: {  	s4 =	sld [smem:$0x3FAE]  }
0x2a: {  	p0 =	seq.s32 s5, $0x0;
	s5 =	sld [smem:$0x3FAF]  }
0x2b: {  	s6 =	sld [smem:$0x3FB0]  }
0x2c: {  	s7 =	sld [smem:$0x3FB1]  }
0x2d: {  	s3 =	simm.s32 $0x108;
	s8 =	sld [smem:$0x3FB2]  }
0x2e: {  	s3 =	simm.s32 @!p0 $0x1082;
	s9 =	sld [smem:$0x3FB3]  }
0x2f: {  	lr =	sadd.s32 s0, s3;
	s0 =	sld [smem:$0x3FAA]  }
0x30: {  	s3 =	sld [smem:$0x3FAD]  }
0x31: {  	[smem:$0x3FB6] =	sst s10  }
0x32: {  	s10 =	sld [smem:$0x3FB4];
	_ =	sdelay $0x3  }
0x33: {  	p0 =	seq.s32 s10, $0x1;
	s10 =	sld [smem:$0x3FB6];
	_ =	sdelay $0x3  }
0x34: {  	[smem:$0x3FB6] =	sst s10  }
0x35: {  	s10 =	sld [smem:$0x3FB5];
	_ =	sdelay $0x3  }
0x36: {  	p1 =	seq.s32 s10, $0x1;
	s10 =	sld [smem:$0x3FB6];
	_ =	sdelay $0x3  }
0x37: {  	[smem:$0x3FB6] =	sst s10  }
0x38: {  	s10 =	sld [smem:$0x3FB7]  }
0x39: {  	_ = 	snop;
	(pc) =	sbr.ind lr, $3  }
0x3a: {  	_ = 	snop  }
0x3b: {  	_ = 	snop  }
0x3c: {  	p2 =	seq.s32 s10, $0x1;
	s10 =	sld [smem:$0x3FB6]  }
0x3d: {  	_ =	shalt  }
0x3e: {  	_ =	shalt  }
0x3f: {  	_ =	shalt  }
0x40: {  	_ =	shalt  }
0x41: {  	_ =	shalt  }
0x42: {  	_ =	shalt  }
0x43: {  	_ =	shalt  }
0x44: {  	_ =	shalt  }
0x45: {  	_ =	shalt  }
0x46: {  	_ =	shalt  }
0x47: {  	_ =	shalt  }
0x48: {  	_ =	shalt  }
0x49: {  	_ =	shalt  }
0x4a: {  	_ =	shalt  }
0x4b: {  	_ =	shalt  }
0x4c: {  	_ =	shalt  }
0x4d: {  	_ =	shalt  }
0x4e: {  	_ =	shalt  }
0x4f: {  	_ =	shalt  }
0x50: {  	_ =	shalt  }
0x51: {  	_ =	shalt  }
0x52: {  	_ =	shalt  }
0x53: {  	_ =	shalt  }
0x54: {  	_ =	shalt  }
0x55: {  	_ =	shalt  }
0x56: {  	_ =	shalt  }
0x57: {  	_ =	shalt  }
0x58: {  	_ =	shalt  }
0x59: {  	_ =	shalt  }
0x5a: {  	_ =	shalt  }
0x5b: {  	_ =	shalt  }
0x5c: {  	_ =	shalt  }
0x5d: {  	_ =	shalt  }
0x5e: {  	_ =	shalt  }
0x5f: {  	_ =	shalt  }
0x60: {  	_ =	shalt  }
0x61: {  	_ =	shalt  }
0x62: {  	_ =	shalt  }
0x63: {  	_ =	shalt  }
0x64: {  	_ =	shalt  }
0x65: {  	_ =	shalt  }
0x66: {  	_ =	shalt  }
0x67: {  	_ =	shalt  }
0x68: {  	_ =	shalt  }
0x69: {  	_ =	shalt  }
0x6a: {  	_ =	shalt  }
0x6b: {  	_ =	shalt  }
0x6c: {  	_ =	shalt  }
0x6d: {  	_ =	shalt  }
0x6e: {  	_ =	shalt  }
0x6f: {  	_ =	shalt  }
0x70: {  	_ =	shalt  }
0x71: {  	_ =	shalt  }
0x72: {  	_ =	shalt  }
0x73: {  	_ =	shalt  }
0x74: {  	_ =	shalt  }
0x75: {  	_ =	shalt  }
0x76: {  	_ =	shalt  }
0x77: {  	_ =	shalt  }
0x78: {  	_ =	shalt  }
0x79: {  	_ =	shalt  }
0x7a: {  	_ =	shalt  }
0x7b: {  	_ =	shalt  }
0x7c: {  	_ =	shalt  }
0x7d: {  	_ =	shalt  }
0x7e: {  	_ =	shalt  }
0x7f: {  	_ =	shalt  }
0x80: {  	_ =	shalt  }
0x81: {  	_ =	shalt  }
0x82: {  	_ =	shalt  }
0x83: {  	_ =	shalt  }
0x84: {  	_ =	shalt  }
0x85: {  	_ =	shalt  }
0x86: {  	_ =	shalt  }
0x87: {  	_ =	shalt  }
.Lfunc_end0:
.L_simem_size_0:
called_computation.1_lowered:
.L_overlay_start_0:
0x88: {  	s2 =	sld [smem:$0x3FD9]  }
0x89: {  	s3 =	sld [smem:$0x3FFE];
	_ =	sdelay $0x1  }
0x8a: {  	s1 =	srdreg.scid  }
0x8b: {  	s0 =	sand.u32 $0x1, s1  }
0x8c: {  	s17 =	sshll.u32 s0, $0xA;
	s2 =	sadd.s32 s3, s2  }
0x8d: {  	s2 =	sadd.s32 s2, s17  }
0x8e: {  	[smem:$0x3FC2] =	sst s2  }
0x8f: {  	_ = 	snop  }
0x90: {  	s2 =	sld [smem:$0x3FC9]  }
0x91: {  	s18 =	sld [smem:$0x3FC8];
	(tm) =	ssettm $0x1  }
0x92: {  	s4 =	sld [smem:$0x3FFB];
	_ =	sdelay $0x3  }
0x93: {  	_ =	strace s4  }
0x94: {  	s4 =	sld [smem:$0x3FFC];
	_ =	sdelay $0x3  }
0x95: {  	_ =	strace s4  }
0x96: {  	s4 =	sld [smem:$0x3FFD];
	_ =	sdelay $0x3  }
0x97: {  	_ =	strace s4  }
0x98: {  	_ =	strace $0x8FFFFFFF  }
0x99: {  	s19 =	sld [smem:$0x3FDB];
	_ =	sdelay $0x1  }
0x9a: {  	s5 =	simm.s32 $_scs_section_size  }
0x9b: {  	s6 =	simm.s32 $_size__tile_overlayer_lowered;
	s7 =	simm.s32 $_tile_overlayer_lowered  }
0x9c: {  	s22 =	simm.s32 $0x1BFF;
	s21 =	sshll.u32 s7, $0x1;
	s4 =	sadd.s32 s5, s19  }
0x9d: {  	s8 =	simm.s32 $0x0;
	s20 =	sshll.u32 s6, $0x1;
	s6 =	sadd.s32 s21, s4  }
0x9e: {  	[timem:s8], [sflag:s22] =	dma.local [hbm:s6], s20  }
0x9f: {  	_ =	swait.ge [sflag:s22], s20  }
0xa0: {  	s5 =	ssub.s32 $0x0, s20;
	[sflag:s22] =	ssyncset.done $0x0  }
0xa1: {  	[sflag:s22] =	ssyncadd.s32 s5;
	_ =	sdelay $0x1  }
0xa2: {  	s23 =	simm.s32 $0x1B8B  }
0xa3: {  	_ =	swait.ge [sflag:s23], $0x1  }
0xa4: {  	[sflag:s23] =	ssyncset.done $0x0  }
0xa5: {  	s25 =	simm.s32 $0x1B8E;
	s24 =	sld [smem:$0x3FFE];
	[sflag:s23] =	ssyncadd.s32 $0xFFFFFFFF  }
0xa6: {  	s26 =	simm.s32 $execute0_lowered;
	[smem:$0x3FD2] =	sst s25  }
0xa7: {  	s6 =	sshll.u32 s26, $0x1;
	_ =	strace $0x80000049;
	[dreg:$0x1] =	wrdreg $0xFFFFFFFF  }
0xa8: {  	s28 =	simm.s32 $_size_execute0_lowered;
	s4 =	sadd.s32 s4, s6;
	[dreg:$0x0] =	wrdreg $0x0  }
0xa9: {  	s6 =	sshll.u32 s28, $0x1;
	[dreg:$0x2] =	wrdreg s4  }
0xaa: {  	[dreg:$0x3] =	wrdreg s6  }
0xab: {  	[dreg:$0x4] =	wrdreg $0xC0  }
0xac: {  	_ =	task [dreg:s8], $0x5FFFF  }
0xad: {  	[dreg:$0x1] =	wrdreg $0xFFFFFFFF  }
0xae: {  	[dreg:$0x0] =	wrdreg $0x60  }
0xaf: {  	[dreg:$0x2] =	wrdreg s2  }
0xb0: {  	[dreg:$0x3] =	wrdreg s18  }
0xb1: {  	[dreg:$0x4] =	wrdreg s24  }
0xb2: {  	[dreg:$0x5] =	wrdreg $0x9  }
0xb3: {  	_ =	task.clear_ibuf [dreg:s8], $0x6FFFF;
	_ =	strace $0x90000049  }
0xb4: {  	s29 =	simm.s32 $0x9;
	_ =	strace $0x8000004B  }
0xb5: {  	_ =	swait.ge [sflag:s29], $0x1  }
0xb6: {  	[sflag:s29] =	ssyncadd.s32 $0xFFFFFFFF  }
0xb7: {  	_ =	strace $0x9000004B  }
0xb8: {  	_ =	sfence  }
0xb9: {  	s30 =	sld [smem:$0x0];
	_ =	sdelay $0x2  }
0xba: {  	s31 =	sshll.u32 s1, $0xD;
	s1 =	sshrl.u32 s1, $0x2  }
0xbb: {  	s3 =	sand.u32 $0x4000, s31;
	s1 =	sadd.s32 s1, s30  }
0xbc: {  	s0 =	sor.u32 s3, s0;
	s1 =	sshll.u32 s1, $0x11  }
0xbd: {  	s0 =	sor.u32 s1, s0  }
0xbe: {  	s0 =	sadd.s32 $0x8F2B, s0  }
0xbf: {  	[sflag:s0] =	ssyncadd.remote.s32 $0x1  }
0xc0: {  	_ =	sfence.sel $0xFFFF  }
0xc1: {  	[dreg:$0x0] =	wrdreg $0xFFFFFFFF;
	(pc) =	sbr.abs _section_cstart, $3  }
0xc2: {  	[dreg:$0x1] =	wrdreg $0xFFFFFFFF  }
0xc3: {  	_ =	task.clear_ibuf [dreg:s8], $0x2FFFF;
	_ =	strace $0x9FFFFFFF  }
0xc4: {  	(tm) =	ssettm $0x7FFFFFFF  }
0xc5: {  	_ =	shalt  }
tec
execute0_lowered:
.L_overlay_start_1:
0x0: {  	(tag) =	ssettag $0x1  }
0x1: {  	s1 =	rddreg [dreg:$0x0]  }
0x2: {  	s6 =	rddreg [dreg:$0x1]  }
0x3: {  	s7 =	rddreg [dreg:$0x2]  }
0x4: {  	s0 =	rddreg [dreg:$0x3];
	s4 =	srdreg.scid  }
0x5: {  	s3 =	simm.s32 $0x0;
	s2 =	stileid.u32;
	s12 =	simm.s32 $0x1  }
0x6: {  	s13 =	simm.s32 $0x80;
	s14 =	simm.s32 $0x180;
	s16 =	simm.s32 $0x200  }
0x7: {  	s15 =	simm.s32 $0x100;
	s17 =	simm.s32 $0x300;
	s18 =	simm.s32 $0x2  }
0x8: {  	s19 =	simm.s32 $0x0;
	s5 =	sand.u32 $0x1, s4;
	[smem:$0x7FF] =	sst s3  }
0x9: {  	s30 =	sshll.u32 s2, $0x8;
	s8 =	sshll.u32 s5, $0x7;
	_ =	strace $0x8000004A  }
0xa: {  	s31 =	ssub.s32 $0x2, s5;
	s5 =	sadd.s32 $0x1600, s7;
	s4 =	sor.u32 s8, s30  }
0xb: {  	[dreg:$0x4] =	wrdreg s16;
	s10 =	sshrl.u32 s31, $0x1;
	s9 =	sshrl.u32 s4, $0x3  }
0xc: {  	s16 =	simm.s32 $0x280;
	s10 =	ssub.s32 s31, s10;
	s11 =	sadd.s32 s9, s7  }
0xd: {  	s6 =	sadd.s32 s6, s9;
	s7 =	smul.u32 $0x3E800, s9;
	s10 =	smax.u32 s10, $0x1  }
0xe: {  	s8 =	sadd.s32 $0x9600, s11;
	s9 =	sadd.s32 $0x9400, s11;
	s11 =	simm.s32 $0x3  }
.LBB2_1:
0xf: {  	[tilespmem:s3], [sflag:$0x3] =	stream.linear.gather [hbm4b:s6+s3], $0x80, $0x38;
	[tilespmem:$0x380] =	vst v63  }
0x10: {  	_ =	swait.ge [sflag:s11], $0x80  }
0x11: {  	[sflag:s11] =	ssyncset.done $0x0  }
0x12: {  	[sflag:s11] =	ssyncadd.s32 $0xFFFFFF80  }
0x13: {  	v0 =	vld.msk [tilespmem:s3+$0x0], $0xffff;
	_ =	sdelay $0x4  }
0x14: {  	(v2sf) =	vpush v0, $0x0;
	_ =	sdelay $0xe  }
0x15: {  	s20 =	spop (v2sf)  }
0x16: {  	s21 =	sand.u32 $0xF, s20  }
0x17: {  	s22 =	sshra.s32 s20, $0x1F;
	p0 =	slt.s32 s20, $0x1;
	p1 =	sne.s32 s21, $0x0  }
0x18: {  	s30 =	sshrl.u32 s22, $0x1C;
	p0 =	por !p0, !p1  }
0x19: {  	s21 =	simm.s32 $0x1;
	s20 =	sadd.s32 s30, s20;
	p0 =	por !p0, !p0  }
0x1a: {  	s20 =	sshra.s32 s20, $0x4;
	s21 =	simm.s32 @!p0 $0x0  }
0x1b: {  	s20 =	ssub.s32 s20, s21  }
0x1c: {  	s21 =	sshll.u32 s20, $0x7  }
0x1d: {  	s20 =	sshll.u32 s20, $0x4;
	s21 =	sand.u32 $0xFFFFFC00, s21  }
0x1e: {  	s20 =	sand.u32 $0x70, s20;
	s31 =	sadd.s32 s7, s21  }
0x1f: {  	s22 =	sor.u32 s20, s31  }
0x20: {  	s20 =	sor.u32 s20, s21;
	s22 =	sshrl.u32 s22, $0x3  }
0x21: {  	s20 =	sshrl.u32 s20, $0x3;
	s22 =	sadd.s32 s1, s22  }
0x22: {  	[tilespmem:s13], [sflag:$0x1] =	stream.linear.gather [hbm4b:s22+s3], $0x10, $0x38;
	[tilespmem:$0x380] =	vst v63  }
0x23: {  	s20 =	sadd.s32 s5, s20  }
0x24: {  	[tilespmem:s14], [sflag:$0x1] =	stream.linear.gather [hbm4b:s20+s3], $0x10, $0x38;
	[tilespmem:$0x380] =	vst v63  }
0x25: {  	s21 =	simm.s32 $0x0;
	s20 =	simm.s32 $0x100  }
.LBB2_2:
0x26: {  	s22 =	sadd.s32 $0x1, s21  }
0x27: {  	v0 =	vmov s22;
	_ =	sdelay $0x4  }
0x28: {  	v1 =	vld.idx.msk [tilespmem:v0+s3+$0x0], $0xffff;
	_ =	sdelay $0x4  }
0x29: {  	(v2sf) =	vpush v1, $0x0;
	_ =	sdelay $0xe  }
0x2a: {  	s31 =	spop (v2sf)  }
0x2b: {  	s23 =	sand.u32 $0xF, s31  }
0x2c: {  	s24 =	sshra.s32 s31, $0x1F;
	p0 =	slt.s32 s31, $0x1;
	p1 =	sne.s32 s23, $0x0  }
0x2d: {  	s24 =	sshrl.u32 s24, $0x1C;
	p0 =	por !p0, !p1  }
0x2e: {  	s23 =	simm.s32 $0x1;
	s22 =	sadd.s32 s24, s31;
	p0 =	por !p0, !p0  }
0x2f: {  	s25 =	sadd.s32 s21, s4;
	s22 =	sshra.s32 s22, $0x4;
	s23 =	simm.s32 @!p0 $0x0  }
0x30: {  	s24 =	sshrl.u32 s25, $0x3;
	s22 =	ssub.s32 s22, s23  }
0x31: {  	s26 =	smul.u32 $0x3E800, s24;
	s28 =	sshll.u32 s22, $0x7  }
0x32: {  	s25 =	sadd.s32 $0xFFFFFF80, s20;
	s24 =	sand.u32 $0xFFFFFC00, s28  }
0x33: {  	s25 =	sand.u32 $0x380, s25;
	s22 =	sshll.u32 s22, $0x4;
	s23 =	sadd.s32 s26, s24  }
0x34: {  	s22 =	sand.u32 $0x70, s22;
	s23 =	sor.u32 s25, s23  }
0x35: {  	s23 =	sor.u32 s22, s23;
	s22 =	sor.u32 s25, s22  }
0x36: {  	s23 =	sshrl.u32 s23, $0x3;
	s22 =	sor.u32 s24, s22  }
0x37: {  	s23 =	sadd.s32 s1, s23;
	s22 =	sshrl.u32 s22, $0x3  }
0x38: {  	[tilespmem:s15], [sflag:$0x2] =	stream.linear.gather [hbm4b:s23+s3], $0x10, $0x38;
	[tilespmem:$0x380] =	vst v63  }
0x39: {  	s29 =	rddreg [dreg:$0x4];
	v59 =	vmov s21;
	s22 =	sadd.s32 s5, s22  }
0x3a: {  	v1 =	vand.u32 $0xFFFFFFFE, v59;
	[tilespmem:s29], [sflag:$0x2] =	stream.linear.gather [hbm4b:s22+s3], $0x10, $0x38;
	[tilespmem:$0x380] =	vst v63  }
0x3b: {  	v1 =	vbroadcast v1, $0x0;
	_ =	swait.ge [sflag:s12], $0x10  }
0x3c: {  	[sflag:s12] =	ssyncset.done $0x0  }
0x3d: {  	[sflag:s12] =	ssyncadd.s32 $0xFFFFFFF0  }
0x3e: {  	_ =	swait.ge [sflag:s12], $0x10  }
0x3f: {  	[sflag:s12] =	ssyncset.done $0x0  }
0x40: {  	[sflag:s12] =	ssyncadd.s32 $0xFFFFFFF0  }
0x41: {  	v2 =	vld.idx.msk [tilespmem:v1+s3+$0x0], $0xffff;
	_ =	sdelay $0x4  }
0x42: {  	(v2sf) =	vpush v2, $0x0;
	_ =	sdelay $0xe  }
0x43: {  	s30 =	spop (v2sf)  }
0x44: {  	s22 =	sand.u32 $0xF, s30  }
0x45: {  	v60 =	vmov s22;
	_ =	sdelay $0x1  }
0x46: {  	p0 =	seq.s32 s21, $0x7E  }
0x47: {  	s22 =	sadd.s32 @!p0 $0x2, s21  }
0x48: {  	v3 =	vmov @!p0 s22  }
0x49: {  	v3 =	vand.u32 @!p0 $0xFFFFFFFE, v3;
	v4 =	vld.idx.msk [tilespmem:v60+s13+$0x0], $0xffff  }
0x4a: {  	v3 =	vbroadcast @!p0 v3, $0x0;
	v2 =	vld.idx.msk [tilespmem:v60+s14+$0x0], $0xffff;
	_ =	sdelay $0x3  }
0x4b: {  	[tilespmem:v1+s16+$0x0] =	vst.idx.msk $0x1, v4  }
0x4c: {  	s23 =	simm.s32 @!p0 $0x0;
	[tilespmem:v1+s17+$0x0] =	vst.idx.msk $0x1, v2  }
0x4d: {  	v1 =	vld.idx.msk @!p0 [tilespmem:v3+s23+$0x0], $0xffff;
	_ =	sdelay $0x4  }
0x4e: {  	(v2sf) =	vpush @!p0 v1, $0x0;
	_ =	sdelay $0xe  }
0x4f: {  	s24 =	spop @!p0 (v2sf)  }
0x50: {  	s25 =	sand.u32 @!p0 $0xF, s24  }
0x51: {  	p1 =	slt.s32 @!p0 s24, $0x1;
	p2 =	sne.s32 @!p0 s25, $0x0  }
0x52: {  	s25 =	sshra.s32 @!p0 s24, $0x1F;
	p1 =	por @!p0 !p1, !p2  }
0x53: {  	s25 =	sshrl.u32 @!p0 s25, $0x1C;
	p1 =	por @!p0 !p1, !p1  }
0x54: {  	s24 =	sadd.s32 @!p0 s25, s24;
	s25 =	simm.s32 @!p0 $0x1;
	p1 =	por !p1, p0  }
0x55: {  	s22 =	sadd.s32 @!p0 s4, s22;
	s24 =	sshra.s32 @!p0 s24, $0x4;
	s25 =	simm.s32 @p1 $0x0  }
0x56: {  	s22 =	sshrl.u32 @!p0 s22, $0x3;
	s24 =	ssub.s32 @!p0 s24, s25  }
0x57: {  	s22 =	smul.u32 @!p0 $0x3E800, s22;
	s25 =	sshll.u32 @!p0 s24, $0x7  }
0x58: {  	s25 =	sand.u32 @!p0 $0xFFFFFC00, s25  }
0x59: {  	s26 =	sand.u32 @!p0 $0x300, s20;
	s24 =	sshll.u32 @!p0 s24, $0x4;
	s22 =	sadd.s32 @!p0 s22, s25  }
0x5a: {  	s24 =	sand.u32 @!p0 $0x70, s24;
	s22 =	sor.u32 @!p0 s26, s22  }
0x5b: {  	s22 =	sor.u32 @!p0 s24, s22  }
0x5c: {  	s22 =	sshrl.u32 @!p0 s22, $0x3  }
0x5d: {  	s28 =	simm.s32 @!p0 $0x80;
	s22 =	sadd.s32 @!p0 s1, s22  }
0x5e: {  	[tilespmem:s28], [sflag:$0x1] =	stream.linear.gather @!p0 [hbm4b:s22+s23], $0x10, $0x38;
	[tilespmem:$0x380] =	vst v63  }
0x5f: {  	s22 =	sor.u32 @!p0 s26, s24  }
0x60: {  	s22 =	sor.u32 @!p0 s25, s22  }
0x61: {  	s22 =	sshrl.u32 @!p0 s22, $0x3  }
0x62: {  	s24 =	simm.s32 @!p0 $0x180;
	s22 =	sadd.s32 @!p0 s5, s22  }
0x63: {  	[tilespmem:s24], [sflag:$0x1] =	stream.linear.gather @!p0 [hbm4b:s22+s23], $0x10, $0x38;
	[tilespmem:$0x380] =	vst v63  }
0x64: {  	_ =	swait.ge [sflag:s18], $0x10  }
0x65: {  	[sflag:s18] =	ssyncset.done $0x0  }
0x66: {  	[sflag:s18] =	ssyncadd.s32 $0xFFFFFFF0  }
0x67: {  	_ =	swait.ge [sflag:s18], $0x10  }
0x68: {  	[sflag:s18] =	ssyncset.done $0x0  }
0x69: {  	[sflag:s18] =	ssyncadd.s32 $0xFFFFFFF0  }
0x6a: {  	v61 =	vld.idx.msk [tilespmem:v0+s3+$0x0], $0xffff;
	_ =	sdelay $0x4  }
0x6b: {  	(v2sf) =	vpush v61, $0x0;
	_ =	sdelay $0xe  }
0x6c: {  	s31 =	spop (v2sf)  }
0x6d: {  	s22 =	sand.u32 $0xF, s31  }
0x6e: {  	v62 =	vmov s22  }
0x6f: {  	v1 =	vor.u32 $0x80, v62  }
0x70: {  	v1 =	vbroadcast v1, $0x0;
	_ =	sdelay $0x5  }
0x71: {  	s21 =	sadd.s32 $0x2, s21;
	v63 =	vld.idx.msk [tilespmem:v1+s13+$0x0], $0xffff  }
0x72: {  	p0 =	sne.s32 s21, $0x80;
	v1 =	vld.idx.msk [tilespmem:v1+s14+$0x0], $0xffff  }
.Ltmp0:
0x73: {  	_ = 	snop;
	(pc) =	sbr.rel @p0 .LBB2_2-.Ltmp0, $3  }
0x74: {  	_ =	sdelay $0x1  }
0x75: {  	[tilespmem:v0+s16+$0x0] =	vst.idx.msk $0x1, v63  }
0x76: {  	s20 =	sadd.s32 $0x100, s20;
	[tilespmem:v0+s17+$0x0] =	vst.idx.msk $0x1, v1  }
0x77: {  	[hbm4b:s8+s3] =	stream.linear.scatter [tilespmem:s16], [sflag:$0x3], $0x80, $0x38;
	[tilespmem:$0x380] =	vst v63  }
0x78: {  	s19 =	sadd.s32 $0x1, s19;
	_ =	swait.ge [sflag:s11], $0x80  }
0x79: {  	p0 =	sne.s32 s19, s10;
	[sflag:s11] =	ssyncset.done $0x0  }
.Ltmp1:
0x7a: {  	[sflag:s11] =	ssyncadd.s32 $0xFFFFFF80;
	(pc) =	sbr.rel @p0 .LBB2_1-.Ltmp1, $4  }
0x7b: {  	[hbm4b:s9+s3] =	stream.linear.scatter [tilespmem:s17], [sflag:$0x3], $0x80, $0x38;
	[tilespmem:$0x380] =	vst v63  }
0x7c: {  	_ =	swait.ge [sflag:s11], $0x80  }
0x7d: {  	[sflag:s11] =	ssyncset.done $0x0  }
0x7e: {  	[sflag:s11] =	ssyncadd.s32 $0xFFFFFF80  }
0x7f: {  	_ =	sfence.sel $0x180000  }
0x80: {  	[bflag:$0x0] =	sbarrier.arrive $0xFFFF  }
0x81: {  	p0 =	sne.s32 s2, $0x0;
	_ =	strace $0x9000004A  }
0x82: {  	s0 =	sadd.s32 @!p0 $0x100000, s0;
	[bflag:$0x2] =	sbarrier.arrive $0xFFFF  }
0x83: {  	[sflag:s0] =	ssyncadd.tile.s32 @!p0 $0x1;
	_ =	shalt  }
.Lfunc_end2:
_tile_overlayer_lowered:
.L_overlay_start_2:
0x84: {  	(tag) =	ssettag $0x2  }
0x85: {  	s0 =	rddreg [dreg:$0x0];
	s2 =	stileid.u32  }
0x86: {  	s1 =	rddreg [dreg:$0x1];
	p0 =	sne.s32 s2, $0x0  }
0x87: {  	s3 =	rddreg [dreg:$0x2];
	[bflag:$0x3] =	sbarrier.arrive $0xFFFF;
	s2 =	simm.s32 @!p0 $0x1C03  }
0x88: {  	[timem:s3], [sflag:s2] =	dma.local @!p0 [hbm:s0], s1  }
0x89: {  	s0 =	simm.s32 @!p0 $0x3  }
0x8a: {  	_ =	swait.ge @!p0 [sflag:s0], s1  }
0x8b: {  	s1 =	ssub.s32 @!p0 $0x0, s1;
	[sflag:s0] =	ssyncset.done @!p0 $0x0  }
0x8c: {  	[sflag:s0] =	ssyncadd.s32 @!p0 s1  }
0x8d: {  	[bflag:$0x3] =	sbarrier.arrive $0xFFFF  }
0x8e: {  	_ =	shalt  }

</sc_bundles>
